<compile_context>
chip_gen: v7x
topology: tpu7x:2x2x1
jax: 0.10.2.dev20260603
libtpu: 0.0.44.dev20260713+nightly
codegen_flags: <defaults>
</compile_context>

<pallas_src>
import functools

import jax
import jax.numpy as jnp
from jax import lax
from jax.experimental import pallas as pl
from jax.experimental.pallas import tpu as pltpu
from jax.experimental.pallas import tpu_sc as plsc

_N = 10000
_NP = 10112
_E = 320000
_NC = 2
_NS = 16
_NW = _NC * _NS
_CH = 128


_EP = 327680
_NIT = _EP // _CH // _NW


def _make_agg(d):
    npt = _NP // _NS
    zr = 128
    mesh = plsc.VectorSubcoreMesh(core_axis_name="c", subcore_axis_name="s")

    scratch_types = [
        pltpu.VMEM((_CH,), jnp.int32),
        pltpu.VMEM((_CH,), jnp.int32),
        pltpu.VMEM((_CH,), jnp.int32),
        pltpu.VMEM((_CH,), jnp.int32),
        pltpu.VMEM((_CH, d), jnp.float32),
        pltpu.VMEM((_CH, d), jnp.float32),
        pltpu.VMEM_SHARED((_NP, d), jnp.float32),
        pltpu.SemaphoreType.DMA,
        pltpu.SemaphoreType.DMA,
    ]

    @functools.partial(
        pl.kernel,
        mesh=mesh,
        out_type=jax.ShapeDtypeStruct((_NC * _NP, d), jnp.float32),
        scratch_types=scratch_types,
    )
    def agg(y_hbm, src_hbm, dst_hbm, out_hbm, sx0, sx1, dx0, dx1,
            rw0, rw1, acc, g0, g1):
        cid = lax.axis_index("c")
        sid = lax.axis_index("s")
        tid = sid * _NC + cid
        sidx = (sx0, sx1)
        didx = (dx0, dx1)
        rows = (rw0, rw1)
        gsem = (g0, g1)

        zv = jnp.zeros((16,), jnp.float32)

        def zrow(r, carry):
            for l in range(d // 16):
                rw0[r, pl.ds(l * 16, 16)] = zv
            return carry

        lax.fori_loop(0, zr, zrow, 0)
        for k in range(npt // zr):
            pltpu.sync_copy(rw0, acc.at[pl.ds(sid * npt + k * zr, zr)])
        rem = npt % zr
        if rem:
            pltpu.sync_copy(rw0.at[pl.ds(0, rem)],
                            acc.at[pl.ds(sid * npt + (npt // zr) * zr, rem)])
        plsc.subcore_barrier()

        def idx_load(k, b):
            base = (k * _NW + tid) * _CH
            pltpu.sync_copy(src_hbm.at[pl.ds(base, _CH)], sidx[b])
            pltpu.sync_copy(dst_hbm.at[pl.ds(base, _CH)], didx[b])

        def gather(b):
            pltpu.async_copy(y_hbm.at[sidx[b]], rows[b], gsem[b])

        def gather_wait(b):
            pltpu.make_async_copy(y_hbm.at[sidx[b]], rows[b], gsem[b]).wait()

        def scatter(b):
            pltpu.sync_copy(rows[b], acc.at[didx[b]], add=True)

        idx_load(0, 0)
        gather(0)

        def body(j, carry):
            idx_load(2 * j + 1, 1)
            gather(1)
            gather_wait(0)
            scatter(0)

            @pl.when(j < (_NIT // 2 - 1))
            def _():
                idx_load(2 * j + 2, 0)
                gather(0)
            gather_wait(1)
            scatter(1)
            return carry

        lax.fori_loop(0, _NIT // 2, body, 0)
        plsc.subcore_barrier()
        pltpu.sync_copy(acc.at[pl.ds(sid * npt, npt)],
                        out_hbm.at[pl.ds(cid * _NP + sid * npt, npt)])

    return agg


def _mm_body(x_ref, w_ref, o_ref):
    o_ref[...] = jnp.dot(x_ref[...], w_ref[...],
                         preferred_element_type=jnp.float32)


def _matmul(x, w):
    return pl.pallas_call(
        _mm_body,
        out_shape=jax.ShapeDtypeStruct((x.shape[0], w.shape[1]), jnp.float32),
    )(x, w)


def _psum(p_ref):
    return p_ref[pl.ds(0, _N), :] + p_ref[pl.ds(_NP, _N), :]


def _combine_mm_body(y_ref, p_ref, b_ref, s_ref, w_ref, o_ref):
    h = s_ref[...] * y_ref[...] + _psum(p_ref) + b_ref[...]
    h = jnp.maximum(h, 0.0)
    o_ref[...] = jnp.dot(h, w_ref[...], preferred_element_type=jnp.float32)


def _combine_mm(y, p, b, s, w):
    return pl.pallas_call(
        _combine_mm_body,
        out_shape=jax.ShapeDtypeStruct((y.shape[0], w.shape[1]), jnp.float32),
    )(y, p, b, s, w)


def _combine_body(y_ref, p_ref, b_ref, s_ref, o_ref):
    h = s_ref[...] * y_ref[...] + _psum(p_ref) + b_ref[...]
    o_ref[...] = jnp.maximum(h, 0.0)


def _combine(y, p, b, s):
    return pl.pallas_call(
        _combine_body,
        out_shape=jax.ShapeDtypeStruct(y.shape, jnp.float32),
    )(y, p, b, s)


def _final_body(h_ref, p_ref, b_ref, s_ref, w_ref, lo_ref, pr_ref):
    z = s_ref[...] * h_ref[...] + _psum(p_ref)
    logits = jnp.dot(z, w_ref[...], preferred_element_type=jnp.float32)
    logits = jnp.maximum(logits + b_ref[...], 0.0)
    lo_ref[...] = logits
    m = jnp.max(logits, axis=-1, keepdims=True)
    ex = jnp.exp(logits - m)
    pr_ref[...] = ex / jnp.sum(ex, axis=-1, keepdims=True)


def _final(h, p, b, s, w):
    n = h.shape[0]
    d = w.shape[1]
    return pl.pallas_call(
        _final_body,
        out_shape=(jax.ShapeDtypeStruct((n, d), jnp.float32),
                   jax.ShapeDtypeStruct((n, d), jnp.float32)),
    )(h, p, b, s, w)


@jax.jit
def kernel(x, edge_index, W1, b1, eps1, W2, b2, eps2, W3, b3, eps3):
    pad = jnp.concatenate(
        [jnp.zeros((1, _EP - _E), jnp.int32),
         jnp.full((1, _EP - _E), _NP - 1, jnp.int32)], axis=0)
    ei = jnp.concatenate([edge_index, pad], axis=1)
    src = ei[0]
    dst = ei[1]
    s1 = jnp.reshape(1.0 + eps1, (1, 1))
    s2 = jnp.reshape(1.0 + eps2, (1, 1))
    s3 = jnp.reshape(1.0 + eps3, (1, 1))

    agg128 = _make_agg(128)

    y1 = _matmul(x, W1)
    p1 = agg128(y1, src, dst)
    y2 = _combine_mm(y1, p1, b1.reshape(1, -1), s1, W2)
    p2 = agg128(y2, src, dst)
    h2 = _combine(y2, p2, b2.reshape(1, -1), s2)
    p3 = agg128(h2, src, dst)
    logits, probs = _final(h2, p3, b3.reshape(1, -1), s3, W3)
    return (logits, probs)

# --- scband reference (transcript-rebuilt; emitter-appended) ---
"""Pipeline reference for scband-ginnet-nc-33200097198350 (READ-ONLY COPY).

The authoritative reference and input builder live on the scoring server;
editing this copy changes nothing except your own understanding.
"""

import jax, jax.numpy as jnp
import numpy as np

N_NODES = 10000
N_EDGES = 320000
D_IN = 128
LATENT = [128, 128, 64]


def setup_inputs(seed: int = 0) -> dict:
    key = jax.random.key(seed)
    ks = jax.random.split(key, 10)
    x = jax.random.normal(ks[0], (N_NODES, D_IN), dtype=jnp.float32)
    edge_index = jax.random.randint(ks[1], (2, N_EDGES), 0, N_NODES, dtype=jnp.int64 if jax.config.jax_enable_x64 else jnp.int32).astype(jnp.int32)
    # GIN layer 1: Linear(128 -> 128)
    W1 = jax.random.normal(ks[2], (D_IN, LATENT[0]), dtype=jnp.float32) * 0.05
    b1 = jnp.zeros((LATENT[0],), dtype=jnp.float32)
    eps1 = jnp.zeros((), dtype=jnp.float32)
    # GIN layer 2: Linear(128 -> 128)
    W2 = jax.random.normal(ks[3], (LATENT[0], LATENT[1]), dtype=jnp.float32) * 0.05
    b2 = jnp.zeros((LATENT[1],), dtype=jnp.float32)
    eps2 = jnp.zeros((), dtype=jnp.float32)
    # GIN layer 3: Linear(128 -> 64)
    W3 = jax.random.normal(ks[4], (LATENT[1], LATENT[2]), dtype=jnp.float32) * 0.05
    b3 = jnp.zeros((LATENT[2],), dtype=jnp.float32)
    eps3 = jnp.zeros((), dtype=jnp.float32)
    return {"x": x, "edge_index": edge_index, "W1": W1, "b1": b1, "eps1": eps1,
            "W2": W2, "b2": b2, "eps2": eps2, "W3": W3, "b3": b3, "eps3": eps3}


def _gin_conv(x, src, dst, W, b, eps):
    # PyG GINConv: nn((1+eps)*x + sum_{j in N(i)} x_j); nn = Linear + ReLU
    msgs = x[src]  # gather (memory-bound)
    agg = jax.ops.segment_sum(msgs, dst, num_segments=N_NODES)  # scatter-add
    h = (1.0 + eps) * x + agg
    return jax.nn.relu(h @ W + b)


def reference(x, edge_index, W1, b1, eps1, W2, b2, eps2, W3, b3, eps3):
    src = edge_index[0]
    dst = edge_index[1]
    # layer 0 (emb_normlize = False) followed by gnn_non_linear ReLU
    h = _gin_conv(x, src, dst, W1, b1, eps1)
    h = jax.nn.relu(h)
    # layer 1
    h = _gin_conv(h, src, dst, W2, b2, eps2)
    h = jax.nn.relu(h)
    # last layer -> logits
    logits = _gin_conv(h, src, dst, W3, b3, eps3)
    probs = jax.nn.softmax(logits, axis=-1)
    return (logits, probs)

if __name__ == "__main__":
    import jax
    _d = setup_inputs()
    print(jax.jit(kernel)(*tuple(_d.values())))

</pallas_src>

<mosaic_0001>
#map = affine_map<(d0, d1) -> (0, 0)>
#map1 = affine_map<(d0, d1) -> (0)>
module attributes {stable_mosaic.version = 14 : i64} {
  func.func @agg(%arg0: i32, %arg1: i32, %arg2: memref<10000x128xf32, #tpu.memory_space<hbm>>, %arg3: memref<327680xi32, #tpu.memory_space<hbm>>, %arg4: memref<327680xi32, #tpu.memory_space<hbm>>, %arg5: memref<20224x128xf32, #tpu.memory_space<hbm>>, %arg6: memref<128xi32, #tpu.memory_space<vmem>>, %arg7: memref<128xi32, #tpu.memory_space<vmem>>, %arg8: memref<128xi32, #tpu.memory_space<vmem>>, %arg9: memref<128xi32, #tpu.memory_space<vmem>>, %arg10: memref<128x128xf32, #tpu.memory_space<vmem>>, %arg11: memref<128x128xf32, #tpu.memory_space<vmem>>, %arg12: memref<10112x128xf32, #tpu.memory_space<vmem_shared>>, %arg13: memref<!tpu.dma_semaphore, #tpu.memory_space<semaphore_mem>>, %arg14: memref<!tpu.dma_semaphore, #tpu.memory_space<semaphore_mem>>) attributes {dimension_semantics = [#tpu.dimension_semantics<core_parallel>, #tpu.dimension_semantics<subcore_parallel>], iteration_bounds = array<i64: 2, 16>, scalar_prefetch = 0 : i64, scratch_operands = 9 : i64, tpu.core_type = #tpu.core_type<sc_vector_subcore>, window_params = [{transform_indices = #map}, {transform_indices = #map1}, {transform_indices = #map1}, {transform_indices = #map}]} {
    %mul3A = arith.constant 2 : i32
    %mul3A_0 = arith.muli %arg1, %mul3A : i32
    %add3A = arith.addi %mul3A_0, %arg0 : i32
    %broadcast_in_dim3A = arith.constant 0.000000e+00 : f32
    %broadcast_in_dim3A_1 = vector.broadcast %broadcast_in_dim3A : f32 to vector<16xf32>
    %scan3A = arith.constant 0 : i32
    %scan3A_2 = arith.constant 0 : i32
    %scan3A_3 = arith.constant 128 : i32
    %scan3A_4 = arith.addi %scan3A_2, %scan3A_3 : i32
    %scan3A_5 = arith.constant 1 : i32
    scf.for %scan3A_47 = %scan3A_2 to %scan3A_4 step %scan3A_5  : i32 {
      %swap3A = arith.index_cast %scan3A_47 : i32 to index
      %swap3A_48 = arith.constant 0 : index
      %swap3A_49 = tpu.vector_load %arg10[%swap3A, %swap3A_48] {strides = array<i32>} : memref<128x128xf32, #tpu.memory_space<vmem>>, vector<1x16xf32>,
      %swap3A_50 = vector.shape_cast %swap3A_49 : vector<1x16xf32> to vector<16xf32>
      %swap3A_51 = vector.shape_cast %broadcast_in_dim3A_1 : vector<16xf32> to vector<1x16xf32>
      tpu.vector_store %arg10[%swap3A, %swap3A_48], %swap3A_51 {strides = array<i32>} : memref<128x128xf32, #tpu.memory_space<vmem>>, vector<1x16xf32>,
      %swap3A_52 = arith.index_cast %scan3A_47 : i32 to index
      %swap3A_53 = arith.constant 16 : index
      %swap3A_54 = tpu.vector_load %arg10[%swap3A_52, %swap3A_53] {strides = array<i32>} : memref<128x128xf32, #tpu.memory_space<vmem>>, vector<1x16xf32>,
      %swap3A_55 = vector.shape_cast %swap3A_54 : vector<1x16xf32> to vector<16xf32>
      %swap3A_56 = vector.shape_cast %broadcast_in_dim3A_1 : vector<16xf32> to vector<1x16xf32>
      tpu.vector_store %arg10[%swap3A_52, %swap3A_53], %swap3A_56 {strides = array<i32>} : memref<128x128xf32, #tpu.memory_space<vmem>>, vector<1x16xf32>,
      %swap3A_57 = arith.index_cast %scan3A_47 : i32 to index
      %swap3A_58 = arith.constant 32 : index
      %swap3A_59 = tpu.vector_load %arg10[%swap3A_57, %swap3A_58] {strides = array<i32>} : memref<128x128xf32, #tpu.memory_space<vmem>>, vector<1x16xf32>,
      %swap3A_60 = vector.shape_cast %swap3A_59 : vector<1x16xf32> to vector<16xf32>
      %swap3A_61 = vector.shape_cast %broadcast_in_dim3A_1 : vector<16xf32> to vector<1x16xf32>
      tpu.vector_store %arg10[%swap3A_57, %swap3A_58], %swap3A_61 {strides = array<i32>} : memref<128x128xf32, #tpu.memory_space<vmem>>, vector<1x16xf32>,
      %swap3A_62 = arith.index_cast %scan3A_47 : i32 to index
      %swap3A_63 = arith.constant 48 : index
      %swap3A_64 = tpu.vector_load %arg10[%swap3A_62, %swap3A_63] {strides = array<i32>} : memref<128x128xf32, #tpu.memory_space<vmem>>, vector<1x16xf32>,
      %swap3A_65 = vector.shape_cast %swap3A_64 : vector<1x16xf32> to vector<16xf32>
      %swap3A_66 = vector.shape_cast %broadcast_in_dim3A_1 : vector<16xf32> to vector<1x16xf32>
      tpu.vector_store %arg10[%swap3A_62, %swap3A_63], %swap3A_66 {strides = array<i32>} : memref<128x128xf32, #tpu.memory_space<vmem>>, vector<1x16xf32>,
      %swap3A_67 = arith.index_cast %scan3A_47 : i32 to index
      %swap3A_68 = arith.constant 64 : index
      %swap3A_69 = tpu.vector_load %arg10[%swap3A_67, %swap3A_68] {strides = array<i32>} : memref<128x128xf32, #tpu.memory_space<vmem>>, vector<1x16xf32>,
      %swap3A_70 = vector.shape_cast %swap3A_69 : vector<1x16xf32> to vector<16xf32>
      %swap3A_71 = vector.shape_cast %broadcast_in_dim3A_1 : vector<16xf32> to vector<1x16xf32>
      tpu.vector_store %arg10[%swap3A_67, %swap3A_68], %swap3A_71 {strides = array<i32>} : memref<128x128xf32, #tpu.memory_space<vmem>>, vector<1x16xf32>,
      %swap3A_72 = arith.index_cast %scan3A_47 : i32 to index
      %swap3A_73 = arith.constant 80 : index
      %swap3A_74 = tpu.vector_load %arg10[%swap3A_72, %swap3A_73] {strides = array<i32>} : memref<128x128xf32, #tpu.memory_space<vmem>>, vector<1x16xf32>,
      %swap3A_75 = vector.shape_cast %swap3A_74 : vector<1x16xf32> to vector<16xf32>
      %swap3A_76 = vector.shape_cast %broadcast_in_dim3A_1 : vector<16xf32> to vector<1x16xf32>
      tpu.vector_store %arg10[%swap3A_72, %swap3A_73], %swap3A_76 {strides = array<i32>} : memref<128x128xf32, #tpu.memory_space<vmem>>, vector<1x16xf32>,
      %swap3A_77 = arith.index_cast %scan3A_47 : i32 to index
      %swap3A_78 = arith.constant 96 : index
      %swap3A_79 = tpu.vector_load %arg10[%swap3A_77, %swap3A_78] {strides = array<i32>} : memref<128x128xf32, #tpu.memory_space<vmem>>, vector<1x16xf32>,
      %swap3A_80 = vector.shape_cast %swap3A_79 : vector<1x16xf32> to vector<16xf32>
      %swap3A_81 = vector.shape_cast %broadcast_in_dim3A_1 : vector<16xf32> to vector<1x16xf32>
      tpu.vector_store %arg10[%swap3A_77, %swap3A_78], %swap3A_81 {strides = array<i32>} : memref<128x128xf32, #tpu.memory_space<vmem>>, vector<1x16xf32>,
      %swap3A_82 = arith.index_cast %scan3A_47 : i32 to index
      %swap3A_83 = arith.constant 112 : index
      %swap3A_84 = tpu.vector_load %arg10[%swap3A_82, %swap3A_83] {strides = array<i32>} : memref<128x128xf32, #tpu.memory_space<vmem>>, vector<1x16xf32>,
      %swap3A_85 = vector.shape_cast %swap3A_84 : vector<1x16xf32> to vector<16xf32>
      %swap3A_86 = vector.shape_cast %broadcast_in_dim3A_1 : vector<16xf32> to vector<1x16xf32>
      tpu.vector_store %arg10[%swap3A_82, %swap3A_83], %swap3A_86 {strides = array<i32>} : memref<128x128xf32, #tpu.memory_space<vmem>>, vector<1x16xf32>,
    }
    %scan3A_6 = arith.constant 128 : i32
    %mul3A_7 = arith.constant 632 : i32
    %mul3A_8 = arith.muli %arg1, %mul3A_7 : i32
    %add3A_9 = arith.constant 0 : i32
    %add3A_10 = arith.addi %mul3A_8, %add3A_9 : i32
    "tpu.region"() ({
      %run_scoped3A = tpu.sem_alloc : memref<!tpu.dma_semaphore, #tpu.memory_space<semaphore_mem>>
      %dma_start3A_47 = arith.constant 0 : i32
      %dma_start3A_48 = tpu.memref_slice %arg12[%add3A_10, %dma_start3A_47] : memref<10112x128xf32, #tpu.memory_space<vmem_shared>> -> memref<128x128xf32, #tpu.memory_space<vmem_shared>>
      %dma_start3A_49 = arith.constant 0 : i32
      %dma_start3A_50 = tpu.memref_slice %arg12[%add3A_10, %dma_start3A_49] : memref<10112x128xf32, #tpu.memory_space<vmem_shared>> -> memref<128x128xf32, #tpu.memory_space<vmem_shared>>
      tpu.enqueue_dma source(%arg10 : memref<128x128xf32, #tpu.memory_space<vmem>>) target(%dma_start3A_50 : memref<128x128xf32, #tpu.memory_space<vmem_shared>>) target_semaphore(%run_scoped3A : memref<!tpu.dma_semaphore, #tpu.memory_space<semaphore_mem>>)
      %dma_wait3A = arith.constant 0 : i32
      %dma_wait3A_51 = tpu.memref_slice %arg12[%add3A_10, %dma_wait3A] : memref<10112x128xf32, #tpu.memory_space<vmem_shared>> -> memref<128x128xf32, #tpu.memory_space<vmem_shared>>
      %dma_wait3A_52 = arith.constant 0 : i32
      %dma_wait3A_53 = tpu.memref_slice %arg12[%add3A_10, %dma_wait3A_52] : memref<10112x128xf32, #tpu.memory_space<vmem_shared>> -> memref<128x128xf32, #tpu.memory_space<vmem_shared>>
      tpu.wait_dma2 semaphore(%run_scoped3A : memref<!tpu.dma_semaphore, #tpu.memory_space<semaphore_mem>>) src(%arg10 : memref<128x128xf32, #tpu.memory_space<vmem>>) dst(%dma_wait3A_53 : memref<128x128xf32, #tpu.memory_space<vmem_shared>>)
      tpu.yield
    }) : () -> ()
    %mul3A_11 = arith.constant 632 : i32
    %mul3A_12 = arith.muli %arg1, %mul3A_11 : i32
    %add3A_13 = arith.constant 128 : i32
    %add3A_14 = arith.addi %mul3A_12, %add3A_13 : i32
    "tpu.region"() ({
      %run_scoped3A = tpu.sem_alloc : memref<!tpu.dma_semaphore, #tpu.memory_space<semaphore_mem>>
      %dma_start3A_47 = arith.constant 0 : i32
      %dma_start3A_48 = tpu.memref_slice %arg12[%add3A_14, %dma_start3A_47] : memref<10112x128xf32, #tpu.memory_space<vmem_shared>> -> memref<128x128xf32, #tpu.memory_space<vmem_shared>>
      %dma_start3A_49 = arith.constant 0 : i32
      %dma_start3A_50 = tpu.memref_slice %arg12[%add3A_14, %dma_start3A_49] : memref<10112x128xf32, #tpu.memory_space<vmem_shared>> -> memref<128x128xf32, #tpu.memory_space<vmem_shared>>
      tpu.enqueue_dma source(%arg10 : memref<128x128xf32, #tpu.memory_space<vmem>>) target(%dma_start3A_50 : memref<128x128xf32, #tpu.memory_space<vmem_shared>>) target_semaphore(%run_scoped3A : memref<!tpu.dma_semaphore, #tpu.memory_space<semaphore_mem>>)
      %dma_wait3A = arith.constant 0 : i32
      %dma_wait3A_51 = tpu.memref_slice %arg12[%add3A_14, %dma_wait3A] : memref<10112x128xf32, #tpu.memory_space<vmem_shared>> -> memref<128x128xf32, #tpu.memory_space<vmem_shared>>
      %dma_wait3A_52 = arith.constant 0 : i32
      %dma_wait3A_53 = tpu.memref_slice %arg12[%add3A_14, %dma_wait3A_52] : memref<10112x128xf32, #tpu.memory_space<vmem_shared>> -> memref<128x128xf32, #tpu.memory_space<vmem_shared>>
      tpu.wait_dma2 semaphore(%run_scoped3A : memref<!tpu.dma_semaphore, #tpu.memory_space<semaphore_mem>>) src(%arg10 : memref<128x128xf32, #tpu.memory_space<vmem>>) dst(%dma_wait3A_53 : memref<128x128xf32, #tpu.memory_space<vmem_shared>>)
      tpu.yield
    }) : () -> ()
    %mul3A_15 = arith.constant 632 : i32
    %mul3A_16 = arith.muli %arg1, %mul3A_15 : i32
    %add3A_17 = arith.constant 256 : i32
    %add3A_18 = arith.addi %mul3A_16, %add3A_17 : i32
    "tpu.region"() ({
      %run_scoped3A = tpu.sem_alloc : memref<!tpu.dma_semaphore, #tpu.memory_space<semaphore_mem>>
      %dma_start3A_47 = arith.constant 0 : i32
      %dma_start3A_48 = tpu.memref_slice %arg12[%add3A_18, %dma_start3A_47] : memref<10112x128xf32, #tpu.memory_space<vmem_shared>> -> memref<128x128xf32, #tpu.memory_space<vmem_shared>>
      %dma_start3A_49 = arith.constant 0 : i32
      %dma_start3A_50 = tpu.memref_slice %arg12[%add3A_18, %dma_start3A_49] : memref<10112x128xf32, #tpu.memory_space<vmem_shared>> -> memref<128x128xf32, #tpu.memory_space<vmem_shared>>
      tpu.enqueue_dma source(%arg10 : memref<128x128xf32, #tpu.memory_space<vmem>>) target(%dma_start3A_50 : memref<128x128xf32, #tpu.memory_space<vmem_shared>>) target_semaphore(%run_scoped3A : memref<!tpu.dma_semaphore, #tpu.memory_space<semaphore_mem>>)
      %dma_wait3A = arith.constant 0 : i32
      %dma_wait3A_51 = tpu.memref_slice %arg12[%add3A_18, %dma_wait3A] : memref<10112x128xf32, #tpu.memory_space<vmem_shared>> -> memref<128x128xf32, #tpu.memory_space<vmem_shared>>
      %dma_wait3A_52 = arith.constant 0 : i32
      %dma_wait3A_53 = tpu.memref_slice %arg12[%add3A_18, %dma_wait3A_52] : memref<10112x128xf32, #tpu.memory_space<vmem_shared>> -> memref<128x128xf32, #tpu.memory_space<vmem_shared>>
      tpu.wait_dma2 semaphore(%run_scoped3A : memref<!tpu.dma_semaphore, #tpu.memory_space<semaphore_mem>>) src(%arg10 : memref<128x128xf32, #tpu.memory_space<vmem>>) dst(%dma_wait3A_53 : memref<128x128xf32, #tpu.memory_space<vmem_shared>>)
      tpu.yield
    }) : () -> ()
    %mul3A_19 = arith.constant 632 : i32
    %mul3A_20 = arith.muli %arg1, %mul3A_19 : i32
    %add3A_21 = arith.constant 384 : i32
    %add3A_22 = arith.addi %mul3A_20, %add3A_21 : i32
    "tpu.region"() ({
      %run_scoped3A = tpu.sem_alloc : memref<!tpu.dma_semaphore, #tpu.memory_space<semaphore_mem>>
      %dma_start3A_47 = arith.constant 0 : i32
      %dma_start3A_48 = tpu.memref_slice %arg12[%add3A_22, %dma_start3A_47] : memref<10112x128xf32, #tpu.memory_space<vmem_shared>> -> memref<128x128xf32, #tpu.memory_space<vmem_shared>>
      %dma_start3A_49 = arith.constant 0 : i32
      %dma_start3A_50 = tpu.memref_slice %arg12[%add3A_22, %dma_start3A_49] : memref<10112x128xf32, #tpu.memory_space<vmem_shared>> -> memref<128x128xf32, #tpu.memory_space<vmem_shared>>
      tpu.enqueue_dma source(%arg10 : memref<128x128xf32, #tpu.memory_space<vmem>>) target(%dma_start3A_50 : memref<128x128xf32, #tpu.memory_space<vmem_shared>>) target_semaphore(%run_scoped3A : memref<!tpu.dma_semaphore, #tpu.memory_space<semaphore_mem>>)
      %dma_wait3A = arith.constant 0 : i32
      %dma_wait3A_51 = tpu.memref_slice %arg12[%add3A_22, %dma_wait3A] : memref<10112x128xf32, #tpu.memory_space<vmem_shared>> -> memref<128x128xf32, #tpu.memory_space<vmem_shared>>
      %dma_wait3A_52 = arith.constant 0 : i32
      %dma_wait3A_53 = tpu.memref_slice %arg12[%add3A_22, %dma_wait3A_52] : memref<10112x128xf32, #tpu.memory_space<vmem_shared>> -> memref<128x128xf32, #tpu.memory_space<vmem_shared>>
      tpu.wait_dma2 semaphore(%run_scoped3A : memref<!tpu.dma_semaphore, #tpu.memory_space<semaphore_mem>>) src(%arg10 : memref<128x128xf32, #tpu.memory_space<vmem>>) dst(%dma_wait3A_53 : memref<128x128xf32, #tpu.memory_space<vmem_shared>>)
      tpu.yield
    }) : () -> ()
    %mul3A_23 = arith.constant 632 : i32
    %mul3A_24 = arith.muli %arg1, %mul3A_23 : i32
    %add3A_25 = arith.constant 512 : i32
    %add3A_26 = arith.addi %mul3A_24, %add3A_25 : i32
    "tpu.region"() ({
      %run_scoped3A = tpu.sem_alloc : memref<!tpu.dma_semaphore, #tpu.memory_space<semaphore_mem>>
      %dma_start3A_47 = arith.constant 0 : i32
      %dma_start3A_48 = arith.constant 0 : i32
      %dma_start3A_49 = tpu.memref_slice %arg10[%dma_start3A_47, %dma_start3A_48] : memref<128x128xf32, #tpu.memory_space<vmem>> -> memref<120x128xf32, #tpu.memory_space<vmem>>
      %dma_start3A_50 = arith.constant 0 : i32
      %dma_start3A_51 = tpu.memref_slice %arg12[%add3A_26, %dma_start3A_50] : memref<10112x128xf32, #tpu.memory_space<vmem_shared>> -> memref<120x128xf32, #tpu.memory_space<vmem_shared>>
      %dma_start3A_52 = arith.constant 0 : i32
      %dma_start3A_53 = tpu.memref_slice %arg12[%add3A_26, %dma_start3A_52] : memref<10112x128xf32, #tpu.memory_space<vmem_shared>> -> memref<120x128xf32, #tpu.memory_space<vmem_shared>>
      %dma_start3A_54 = arith.constant 0 : i32
      %dma_start3A_55 = arith.constant 0 : i32
      %dma_start3A_56 = tpu.memref_slice %arg10[%dma_start3A_54, %dma_start3A_55] : memref<128x128xf32, #tpu.memory_space<vmem>> -> memref<120x128xf32, #tpu.memory_space<vmem>>
      tpu.enqueue_dma source(%dma_start3A_56 : memref<120x128xf32, #tpu.memory_space<vmem>>) target(%dma_start3A_53 : memref<120x128xf32, #tpu.memory_space<vmem_shared>>) target_semaphore(%run_scoped3A : memref<!tpu.dma_semaphore, #tpu.memory_space<semaphore_mem>>)
      %dma_wait3A = arith.constant 0 : i32
      %dma_wait3A_57 = arith.constant 0 : i32
      %dma_wait3A_58 = tpu.memref_slice %arg10[%dma_wait3A, %dma_wait3A_57] : memref<128x128xf32, #tpu.memory_space<vmem>> -> memref<120x128xf32, #tpu.memory_space<vmem>>
      %dma_wait3A_59 = arith.constant 0 : i32
      %dma_wait3A_60 = tpu.memref_slice %arg12[%add3A_26, %dma_wait3A_59] : memref<10112x128xf32, #tpu.memory_space<vmem_shared>> -> memref<120x128xf32, #tpu.memory_space<vmem_shared>>
      %dma_wait3A_61 = arith.constant 0 : i32
      %dma_wait3A_62 = tpu.memref_slice %arg12[%add3A_26, %dma_wait3A_61] : memref<10112x128xf32, #tpu.memory_space<vmem_shared>> -> memref<120x128xf32, #tpu.memory_space<vmem_shared>>
      %dma_wait3A_63 = arith.constant 0 : i32
      %dma_wait3A_64 = arith.constant 0 : i32
      %dma_wait3A_65 = tpu.memref_slice %arg10[%dma_wait3A_63, %dma_wait3A_64] : memref<128x128xf32, #tpu.memory_space<vmem>> -> memref<120x128xf32, #tpu.memory_space<vmem>>
      tpu.wait_dma2 semaphore(%run_scoped3A : memref<!tpu.dma_semaphore, #tpu.memory_space<semaphore_mem>>) src(%dma_wait3A_65 : memref<120x128xf32, #tpu.memory_space<vmem>>) dst(%dma_wait3A_62 : memref<120x128xf32, #tpu.memory_space<vmem_shared>>)
      tpu.yield
    }) : () -> ()
    %barrier3A = arith.constant 0 : index
    tpu.barrier barrier_id(%barrier3A)
    %add3A_27 = arith.constant 0 : i32
    %add3A_28 = arith.addi %add3A_27, %add3A : i32
    %mul3A_29 = arith.constant 128 : i32
    %mul3A_30 = arith.muli %add3A_28, %mul3A_29 : i32
    "tpu.region"() ({
      %run_scoped3A = tpu.sem_alloc : memref<!tpu.dma_semaphore, #tpu.memory_space<semaphore_mem>>
      %dma_start3A_47 = tpu.memref_slice %arg3[%mul3A_30] : memref<327680xi32, #tpu.memory_space<hbm>> -> memref<128xi32, #tpu.memory_space<hbm>>
      %dma_start3A_48 = tpu.memref_slice %arg3[%mul3A_30] : memref<327680xi32, #tpu.memory_space<hbm>> -> memref<128xi32, #tpu.memory_space<hbm>>
      tpu.enqueue_dma source(%dma_start3A_48 : memref<128xi32, #tpu.memory_space<hbm>>) target(%arg6 : memref<128xi32, #tpu.memory_space<vmem>>) target_semaphore(%run_scoped3A : memref<!tpu.dma_semaphore, #tpu.memory_space<semaphore_mem>>)
      %dma_wait3A = tpu.memref_slice %arg3[%mul3A_30] : memref<327680xi32, #tpu.memory_space<hbm>> -> memref<128xi32, #tpu.memory_space<hbm>>
      %dma_wait3A_49 = tpu.memref_slice %arg3[%mul3A_30] : memref<327680xi32, #tpu.memory_space<hbm>> -> memref<128xi32, #tpu.memory_space<hbm>>
      tpu.wait_dma2 semaphore(%run_scoped3A : memref<!tpu.dma_semaphore, #tpu.memory_space<semaphore_mem>>) src(%dma_wait3A_49 : memref<128xi32, #tpu.memory_space<hbm>>) dst(%arg6 : memref<128xi32, #tpu.memory_space<vmem>>)
      tpu.yield
    }) : () -> ()
    "tpu.region"() ({
      %run_scoped3A = tpu.sem_alloc : memref<!tpu.dma_semaphore, #tpu.memory_space<semaphore_mem>>
      %dma_start3A_47 = tpu.memref_slice %arg4[%mul3A_30] : memref<327680xi32, #tpu.memory_space<hbm>> -> memref<128xi32, #tpu.memory_space<hbm>>
      %dma_start3A_48 = tpu.memref_slice %arg4[%mul3A_30] : memref<327680xi32, #tpu.memory_space<hbm>> -> memref<128xi32, #tpu.memory_space<hbm>>
      tpu.enqueue_dma source(%dma_start3A_48 : memref<128xi32, #tpu.memory_space<hbm>>) target(%arg8 : memref<128xi32, #tpu.memory_space<vmem>>) target_semaphore(%run_scoped3A : memref<!tpu.dma_semaphore, #tpu.memory_space<semaphore_mem>>)
      %dma_wait3A = tpu.memref_slice %arg4[%mul3A_30] : memref<327680xi32, #tpu.memory_space<hbm>> -> memref<128xi32, #tpu.memory_space<hbm>>
      %dma_wait3A_49 = tpu.memref_slice %arg4[%mul3A_30] : memref<327680xi32, #tpu.memory_space<hbm>> -> memref<128xi32, #tpu.memory_space<hbm>>
      tpu.wait_dma2 semaphore(%run_scoped3A : memref<!tpu.dma_semaphore, #tpu.memory_space<semaphore_mem>>) src(%dma_wait3A_49 : memref<128xi32, #tpu.memory_space<hbm>>) dst(%arg8 : memref<128xi32, #tpu.memory_space<vmem>>)
      tpu.yield
    }) : () -> ()
    %dma_start3A = arith.constant 0 : i32
    %dma_start3A_31 = arith.constant 0 : i32
    %dma_start3A_32 = tpu.memref_slice %arg2[%dma_start3A, %dma_start3A_31] : memref<10000x128xf32, #tpu.memory_space<hbm>> -> memref<10000x128xf32, #tpu.memory_space<hbm>>
    tpu.enqueue_indirect_dma source(%dma_start3A_32 : memref<10000x128xf32, #tpu.memory_space<hbm>>) target(%arg10 : memref<128x128xf32, #tpu.memory_space<vmem>>) offsets(%arg6 : memref<128xi32, #tpu.memory_space<vmem>>) semaphore(%arg13 : memref<!tpu.dma_semaphore, #tpu.memory_space<semaphore_mem>>)
    %scan3A_33 = arith.constant 0 : i32
    %scan3A_34 = arith.constant 0 : i32
    %scan3A_35 = arith.constant 40 : i32
    %scan3A_36 = arith.addi %scan3A_34, %scan3A_35 : i32
    %scan3A_37 = arith.constant 1 : i32
    scf.for %scan3A_47 = %scan3A_34 to %scan3A_36 step %scan3A_37  : i32 {
      %mul3A_48 = arith.constant 2 : i32
      %mul3A_49 = arith.muli %mul3A_48, %scan3A_47 : i32
      %add3A_50 = arith.constant 1 : i32
      %add3A_51 = arith.addi %mul3A_49, %add3A_50 : i32
      %mul3A_52 = arith.constant 32 : i32
      %mul3A_53 = arith.muli %add3A_51, %mul3A_52 : i32
      %add3A_54 = arith.addi %mul3A_53, %add3A : i32
      %mul3A_55 = arith.constant 128 : i32
      %mul3A_56 = arith.muli %add3A_54, %mul3A_55 : i32
      "tpu.region"() ({
        %run_scoped3A = tpu.sem_alloc : memref<!tpu.dma_semaphore, #tpu.memory_space<semaphore_mem>>
        %dma_start3A_67 = tpu.memref_slice %arg3[%mul3A_56] : memref<327680xi32, #tpu.memory_space<hbm>> -> memref<128xi32, #tpu.memory_space<hbm>>
        %dma_start3A_68 = tpu.memref_slice %arg3[%mul3A_56] : memref<327680xi32, #tpu.memory_space<hbm>> -> memref<128xi32, #tpu.memory_space<hbm>>
        tpu.enqueue_dma source(%dma_start3A_68 : memref<128xi32, #tpu.memory_space<hbm>>) target(%arg7 : memref<128xi32, #tpu.memory_space<vmem>>) target_semaphore(%run_scoped3A : memref<!tpu.dma_semaphore, #tpu.memory_space<semaphore_mem>>)
        %dma_wait3A_69 = tpu.memref_slice %arg3[%mul3A_56] : memref<327680xi32, #tpu.memory_space<hbm>> -> memref<128xi32, #tpu.memory_space<hbm>>
        %dma_wait3A_70 = tpu.memref_slice %arg3[%mul3A_56] : memref<327680xi32, #tpu.memory_space<hbm>> -> memref<128xi32, #tpu.memory_space<hbm>>
        tpu.wait_dma2 semaphore(%run_scoped3A : memref<!tpu.dma_semaphore, #tpu.memory_space<semaphore_mem>>) src(%dma_wait3A_70 : memref<128xi32, #tpu.memory_space<hbm>>) dst(%arg7 : memref<128xi32, #tpu.memory_space<vmem>>)
        tpu.yield
      }) : () -> ()
      "tpu.region"() ({
        %run_scoped3A = tpu.sem_alloc : memref<!tpu.dma_semaphore, #tpu.memory_space<semaphore_mem>>
        %dma_start3A_67 = tpu.memref_slice %arg4[%mul3A_56] : memref<327680xi32, #tpu.memory_space<hbm>> -> memref<128xi32, #tpu.memory_space<hbm>>
        %dma_start3A_68 = tpu.memref_slice %arg4[%mul3A_56] : memref<327680xi32, #tpu.memory_space<hbm>> -> memref<128xi32, #tpu.memory_space<hbm>>
        tpu.enqueue_dma source(%dma_start3A_68 : memref<128xi32, #tpu.memory_space<hbm>>) target(%arg9 : memref<128xi32, #tpu.memory_space<vmem>>) target_semaphore(%run_scoped3A : memref<!tpu.dma_semaphore, #tpu.memory_space<semaphore_mem>>)
        %dma_wait3A_69 = tpu.memref_slice %arg4[%mul3A_56] : memref<327680xi32, #tpu.memory_space<hbm>> -> memref<128xi32, #tpu.memory_space<hbm>>
        %dma_wait3A_70 = tpu.memref_slice %arg4[%mul3A_56] : memref<327680xi32, #tpu.memory_space<hbm>> -> memref<128xi32, #tpu.memory_space<hbm>>
        tpu.wait_dma2 semaphore(%run_scoped3A : memref<!tpu.dma_semaphore, #tpu.memory_space<semaphore_mem>>) src(%dma_wait3A_70 : memref<128xi32, #tpu.memory_space<hbm>>) dst(%arg9 : memref<128xi32, #tpu.memory_space<vmem>>)
        tpu.yield
      }) : () -> ()
      %dma_start3A_57 = arith.constant 0 : i32
      %dma_start3A_58 = arith.constant 0 : i32
      %dma_start3A_59 = tpu.memref_slice %arg2[%dma_start3A_57, %dma_start3A_58] : memref<10000x128xf32, #tpu.memory_space<hbm>> -> memref<10000x128xf32, #tpu.memory_space<hbm>>
      tpu.enqueue_indirect_dma source(%dma_start3A_59 : memref<10000x128xf32, #tpu.memory_space<hbm>>) target(%arg11 : memref<128x128xf32, #tpu.memory_space<vmem>>) offsets(%arg7 : memref<128xi32, #tpu.memory_space<vmem>>) semaphore(%arg14 : memref<!tpu.dma_semaphore, #tpu.memory_space<semaphore_mem>>)
      %dma_wait3A = arith.constant 0 : i32
      %dma_wait3A_60 = arith.constant 0 : i32
      %dma_wait3A_61 = tpu.memref_slice %arg2[%dma_wait3A, %dma_wait3A_60] : memref<10000x128xf32, #tpu.memory_space<hbm>> -> memref<10000x128xf32, #tpu.memory_space<hbm>>
      tpu.wait_indirect_dma semaphore(%arg13 : memref<!tpu.dma_semaphore, #tpu.memory_space<semaphore_mem>>) src(%dma_wait3A_61 : memref<10000x128xf32, #tpu.memory_space<hbm>>) dst(%arg10 : memref<128x128xf32, #tpu.memory_space<vmem>>)
      "tpu.region"() ({
        %run_scoped3A = tpu.sem_alloc : memref<!tpu.dma_semaphore, #tpu.memory_space<semaphore_mem>>
        %dma_start3A_67 = arith.constant 0 : i32
        %dma_start3A_68 = arith.constant 0 : i32
        %dma_start3A_69 = tpu.memref_slice %arg12[%dma_start3A_67, %dma_start3A_68] : memref<10112x128xf32, #tpu.memory_space<vmem_shared>> -> memref<10112x128xf32, #tpu.memory_space<vmem_shared>>
        tpu.enqueue_indirect_dma source(%arg10 : memref<128x128xf32, #tpu.memory_space<vmem>>) target(%dma_start3A_69 : memref<10112x128xf32, #tpu.memory_space<vmem_shared>>) offsets(%arg8 : memref<128xi32, #tpu.memory_space<vmem>>) semaphore(%run_scoped3A : memref<!tpu.dma_semaphore, #tpu.memory_space<semaphore_mem>>) {add = true}
        %dma_wait3A_70 = arith.constant 0 : i32
        %dma_wait3A_71 = arith.constant 0 : i32
        %dma_wait3A_72 = tpu.memref_slice %arg12[%dma_wait3A_70, %dma_wait3A_71] : memref<10112x128xf32, #tpu.memory_space<vmem_shared>> -> memref<10112x128xf32, #tpu.memory_space<vmem_shared>>
        tpu.wait_indirect_dma semaphore(%run_scoped3A : memref<!tpu.dma_semaphore, #tpu.memory_space<semaphore_mem>>) src(%arg10 : memref<128x128xf32, #tpu.memory_space<vmem>>) dst(%dma_wait3A_72 : memref<10112x128xf32, #tpu.memory_space<vmem_shared>>)
        tpu.yield
      }) : () -> ()
      %lt3A = arith.constant 39 : i32
      %lt3A_62 = arith.cmpi slt, %scan3A_47, %lt3A : i32
      %convert_element_type3A = arith.extui %lt3A_62 : i1 to i32
      %cond3A = arith.constant 0 : i32
      %cond3A_63 = arith.cmpi ne, %convert_element_type3A, %cond3A : i32
      scf.if %cond3A_63 {
        %mul3A_67 = arith.constant 2 : i32
        %mul3A_68 = arith.muli %mul3A_67, %scan3A_47 : i32
        %add3A_69 = arith.constant 2 : i32
        %add3A_70 = arith.addi %mul3A_68, %add3A_69 : i32
        %mul3A_71 = arith.constant 32 : i32
        %mul3A_72 = arith.muli %add3A_70, %mul3A_71 : i32
        %add3A_73 = arith.addi %mul3A_72, %add3A : i32
        %mul3A_74 = arith.constant 128 : i32
        %mul3A_75 = arith.muli %add3A_73, %mul3A_74 : i32
        "tpu.region"() ({
          %run_scoped3A = tpu.sem_alloc : memref<!tpu.dma_semaphore, #tpu.memory_space<semaphore_mem>>
          %dma_start3A_79 = tpu.memref_slice %arg3[%mul3A_75] : memref<327680xi32, #tpu.memory_space<hbm>> -> memref<128xi32, #tpu.memory_space<hbm>>
          %dma_start3A_80 = tpu.memref_slice %arg3[%mul3A_75] : memref<327680xi32, #tpu.memory_space<hbm>> -> memref<128xi32, #tpu.memory_space<hbm>>
          tpu.enqueue_dma source(%dma_start3A_80 : memref<128xi32, #tpu.memory_space<hbm>>) target(%arg6 : memref<128xi32, #tpu.memory_space<vmem>>) target_semaphore(%run_scoped3A : memref<!tpu.dma_semaphore, #tpu.memory_space<semaphore_mem>>)
          %dma_wait3A_81 = tpu.memref_slice %arg3[%mul3A_75] : memref<327680xi32, #tpu.memory_space<hbm>> -> memref<128xi32, #tpu.memory_space<hbm>>
          %dma_wait3A_82 = tpu.memref_slice %arg3[%mul3A_75] : memref<327680xi32, #tpu.memory_space<hbm>> -> memref<128xi32, #tpu.memory_space<hbm>>
          tpu.wait_dma2 semaphore(%run_scoped3A : memref<!tpu.dma_semaphore, #tpu.memory_space<semaphore_mem>>) src(%dma_wait3A_82 : memref<128xi32, #tpu.memory_space<hbm>>) dst(%arg6 : memref<128xi32, #tpu.memory_space<vmem>>)
          tpu.yield
        }) : () -> ()
        "tpu.region"() ({
          %run_scoped3A = tpu.sem_alloc : memref<!tpu.dma_semaphore, #tpu.memory_space<semaphore_mem>>
          %dma_start3A_79 = tpu.memref_slice %arg4[%mul3A_75] : memref<327680xi32, #tpu.memory_space<hbm>> -> memref<128xi32, #tpu.memory_space<hbm>>
          %dma_start3A_80 = tpu.memref_slice %arg4[%mul3A_75] : memref<327680xi32, #tpu.memory_space<hbm>> -> memref<128xi32, #tpu.memory_space<hbm>>
          tpu.enqueue_dma source(%dma_start3A_80 : memref<128xi32, #tpu.memory_space<hbm>>) target(%arg8 : memref<128xi32, #tpu.memory_space<vmem>>) target_semaphore(%run_scoped3A : memref<!tpu.dma_semaphore, #tpu.memory_space<semaphore_mem>>)
          %dma_wait3A_81 = tpu.memref_slice %arg4[%mul3A_75] : memref<327680xi32, #tpu.memory_space<hbm>> -> memref<128xi32, #tpu.memory_space<hbm>>
          %dma_wait3A_82 = tpu.memref_slice %arg4[%mul3A_75] : memref<327680xi32, #tpu.memory_space<hbm>> -> memref<128xi32, #tpu.memory_space<hbm>>
          tpu.wait_dma2 semaphore(%run_scoped3A : memref<!tpu.dma_semaphore, #tpu.memory_space<semaphore_mem>>) src(%dma_wait3A_82 : memref<128xi32, #tpu.memory_space<hbm>>) dst(%arg8 : memref<128xi32, #tpu.memory_space<vmem>>)
          tpu.yield
        }) : () -> ()
        %dma_start3A_76 = arith.constant 0 : i32
        %dma_start3A_77 = arith.constant 0 : i32
        %dma_start3A_78 = tpu.memref_slice %arg2[%dma_start3A_76, %dma_start3A_77] : memref<10000x128xf32, #tpu.memory_space<hbm>> -> memref<10000x128xf32, #tpu.memory_space<hbm>>
        tpu.enqueue_indirect_dma source(%dma_start3A_78 : memref<10000x128xf32, #tpu.memory_space<hbm>>) target(%arg10 : memref<128x128xf32, #tpu.memory_space<vmem>>) offsets(%arg6 : memref<128xi32, #tpu.memory_space<vmem>>) semaphore(%arg13 : memref<!tpu.dma_semaphore, #tpu.memory_space<semaphore_mem>>)
      } else {
      }
      %dma_wait3A_64 = arith.constant 0 : i32
      %dma_wait3A_65 = arith.constant 0 : i32
      %dma_wait3A_66 = tpu.memref_slice %arg2[%dma_wait3A_64, %dma_wait3A_65] : memref<10000x128xf32, #tpu.memory_space<hbm>> -> memref<10000x128xf32, #tpu.memory_space<hbm>>
      tpu.wait_indirect_dma semaphore(%arg14 : memref<!tpu.dma_semaphore, #tpu.memory_space<semaphore_mem>>) src(%dma_wait3A_66 : memref<10000x128xf32, #tpu.memory_space<hbm>>) dst(%arg11 : memref<128x128xf32, #tpu.memory_space<vmem>>)
      "tpu.region"() ({
        %run_scoped3A = tpu.sem_alloc : memref<!tpu.dma_semaphore, #tpu.memory_space<semaphore_mem>>
        %dma_start3A_67 = arith.constant 0 : i32
        %dma_start3A_68 = arith.constant 0 : i32
        %dma_start3A_69 = tpu.memref_slice %arg12[%dma_start3A_67, %dma_start3A_68] : memref<10112x128xf32, #tpu.memory_space<vmem_shared>> -> memref<10112x128xf32, #tpu.memory_space<vmem_shared>>
        tpu.enqueue_indirect_dma source(%arg11 : memref<128x128xf32, #tpu.memory_space<vmem>>) target(%dma_start3A_69 : memref<10112x128xf32, #tpu.memory_space<vmem_shared>>) offsets(%arg9 : memref<128xi32, #tpu.memory_space<vmem>>) semaphore(%run_scoped3A : memref<!tpu.dma_semaphore, #tpu.memory_space<semaphore_mem>>) {add = true}
        %dma_wait3A_70 = arith.constant 0 : i32
        %dma_wait3A_71 = arith.constant 0 : i32
        %dma_wait3A_72 = tpu.memref_slice %arg12[%dma_wait3A_70, %dma_wait3A_71] : memref<10112x128xf32, #tpu.memory_space<vmem_shared>> -> memref<10112x128xf32, #tpu.memory_space<vmem_shared>>
        tpu.wait_indirect_dma semaphore(%run_scoped3A : memref<!tpu.dma_semaphore, #tpu.memory_space<semaphore_mem>>) src(%arg11 : memref<128x128xf32, #tpu.memory_space<vmem>>) dst(%dma_wait3A_72 : memref<10112x128xf32, #tpu.memory_space<vmem_shared>>)
        tpu.yield
      }) : () -> ()
    }
    %scan3A_38 = arith.constant 40 : i32
    %barrier3A_39 = arith.constant 0 : index
    tpu.barrier barrier_id(%barrier3A_39)
    %mul3A_40 = arith.constant 632 : i32
    %mul3A_41 = arith.muli %arg1, %mul3A_40 : i32
    %mul3A_42 = arith.constant 10112 : i32
    %mul3A_43 = arith.muli %arg0, %mul3A_42 : i32
    %mul3A_44 = arith.constant 632 : i32
    %mul3A_45 = arith.muli %arg1, %mul3A_44 : i32
    %add3A_46 = arith.addi %mul3A_43, %mul3A_45 : i32
    "tpu.region"() ({
      %run_scoped3A = tpu.sem_alloc : memref<!tpu.dma_semaphore, #tpu.memory_space<semaphore_mem>>
      %dma_start3A_47 = arith.constant 0 : i32
      %dma_start3A_48 = tpu.memref_slice %arg5[%add3A_46, %dma_start3A_47] : memref<20224x128xf32, #tpu.memory_space<hbm>> -> memref<632x128xf32, #tpu.memory_space<hbm>>
      %dma_start3A_49 = arith.constant 0 : i32
      %dma_start3A_50 = tpu.memref_slice %arg12[%mul3A_41, %dma_start3A_49] : memref<10112x128xf32, #tpu.memory_space<vmem_shared>> -> memref<632x128xf32, #tpu.memory_space<vmem_shared>>
      tpu.enqueue_dma source(%dma_start3A_50 : memref<632x128xf32, #tpu.memory_space<vmem_shared>>) target(%dma_start3A_48 : memref<632x128xf32, #tpu.memory_space<hbm>>) target_semaphore(%run_scoped3A : memref<!tpu.dma_semaphore, #tpu.memory_space<semaphore_mem>>)
      %dma_wait3A = arith.constant 0 : i32
      %dma_wait3A_51 = tpu.memref_slice %arg5[%add3A_46, %dma_wait3A] : memref<20224x128xf32, #tpu.memory_space<hbm>> -> memref<632x128xf32, #tpu.memory_space<hbm>>
      %dma_wait3A_52 = arith.constant 0 : i32
      %dma_wait3A_53 = tpu.memref_slice %arg12[%mul3A_41, %dma_wait3A_52] : memref<10112x128xf32, #tpu.memory_space<vmem_shared>> -> memref<632x128xf32, #tpu.memory_space<vmem_shared>>
      tpu.wait_dma2 semaphore(%run_scoped3A : memref<!tpu.dma_semaphore, #tpu.memory_space<semaphore_mem>>) src(%dma_wait3A_53 : memref<632x128xf32, #tpu.memory_space<vmem_shared>>) dst(%dma_wait3A_51 : memref<632x128xf32, #tpu.memory_space<hbm>>)
      tpu.yield
    }) : () -> ()
    return
  }
}

#map = affine_map<(d0, d1) -> (0, 0)>
#map1 = affine_map<(d0, d1) -> (0)>
module attributes {stable_mosaic.version = 14 : i64} {
  func.func @agg(%arg0: i32, %arg1: i32, %arg2: memref<10000x128xf32, #tpu.memory_space<hbm>>, %arg3: memref<327680xi32, #tpu.memory_space<hbm>>, %arg4: memref<327680xi32, #tpu.memory_space<hbm>>, %arg5: memref<20224x128xf32, #tpu.memory_space<hbm>>, %arg6: memref<128xi32, #tpu.memory_space<vmem>>, %arg7: memref<128xi32, #tpu.memory_space<vmem>>, %arg8: memref<128xi32, #tpu.memory_space<vmem>>, %arg9: memref<128xi32, #tpu.memory_space<vmem>>, %arg10: memref<128x128xf32, #tpu.memory_space<vmem>>, %arg11: memref<128x128xf32, #tpu.memory_space<vmem>>, %arg12: memref<10112x128xf32, #tpu.memory_space<vmem_shared>>, %arg13: memref<!tpu.dma_semaphore, #tpu.memory_space<semaphore_mem>>, %arg14: memref<!tpu.dma_semaphore, #tpu.memory_space<semaphore_mem>>) attributes {dimension_semantics = [#tpu.dimension_semantics<core_parallel>, #tpu.dimension_semantics<subcore_parallel>], iteration_bounds = array<i64: 2, 16>, scalar_prefetch = 0 : i64, scratch_operands = 9 : i64, tpu.core_type = #tpu.core_type<sc_vector_subcore>, window_params = [{transform_indices = #map}, {transform_indices = #map1}, {transform_indices = #map1}, {transform_indices = #map}]} {
    %mul3A = arith.constant 2 : i32
    %mul3A_0 = arith.muli %arg1, %mul3A : i32
    %add3A = arith.addi %mul3A_0, %arg0 : i32
    %broadcast_in_dim3A = arith.constant 0.000000e+00 : f32
    %broadcast_in_dim3A_1 = vector.broadcast %broadcast_in_dim3A : f32 to vector<16xf32>
    %scan3A = arith.constant 0 : i32
    %scan3A_2 = arith.constant 0 : i32
    %scan3A_3 = arith.constant 128 : i32
    %scan3A_4 = arith.addi %scan3A_2, %scan3A_3 : i32
    %scan3A_5 = arith.constant 1 : i32
    scf.for %scan3A_47 = %scan3A_2 to %scan3A_4 step %scan3A_5  : i32 {
      %swap3A = arith.index_cast %scan3A_47 : i32 to index
      %swap3A_48 = arith.constant 0 : index
      %swap3A_49 = tpu.vector_load %arg10[%swap3A, %swap3A_48] {strides = array<i32>} : memref<128x128xf32, #tpu.memory_space<vmem>>, vector<1x16xf32>,
      %swap3A_50 = vector.shape_cast %swap3A_49 : vector<1x16xf32> to vector<16xf32>
      %swap3A_51 = vector.shape_cast %broadcast_in_dim3A_1 : vector<16xf32> to vector<1x16xf32>
      tpu.vector_store %arg10[%swap3A, %swap3A_48], %swap3A_51 {strides = array<i32>} : memref<128x128xf32, #tpu.memory_space<vmem>>, vector<1x16xf32>,
      %swap3A_52 = arith.index_cast %scan3A_47 : i32 to index
      %swap3A_53 = arith.constant 16 : index
      %swap3A_54 = tpu.vector_load %arg10[%swap3A_52, %swap3A_53] {strides = array<i32>} : memref<128x128xf32, #tpu.memory_space<vmem>>, vector<1x16xf32>,
      %swap3A_55 = vector.shape_cast %swap3A_54 : vector<1x16xf32> to vector<16xf32>
      %swap3A_56 = vector.shape_cast %broadcast_in_dim3A_1 : vector<16xf32> to vector<1x16xf32>
      tpu.vector_store %arg10[%swap3A_52, %swap3A_53], %swap3A_56 {strides = array<i32>} : memref<128x128xf32, #tpu.memory_space<vmem>>, vector<1x16xf32>,
      %swap3A_57 = arith.index_cast %scan3A_47 : i32 to index
      %swap3A_58 = arith.constant 32 : index
      %swap3A_59 = tpu.vector_load %arg10[%swap3A_57, %swap3A_58] {strides = array<i32>} : memref<128x128xf32, #tpu.memory_space<vmem>>, vector<1x16xf32>,
      %swap3A_60 = vector.shape_cast %swap3A_59 : vector<1x16xf32> to vector<16xf32>
      %swap3A_61 = vector.shape_cast %broadcast_in_dim3A_1 : vector<16xf32> to vector<1x16xf32>
      tpu.vector_store %arg10[%swap3A_57, %swap3A_58], %swap3A_61 {strides = array<i32>} : memref<128x128xf32, #tpu.memory_space<vmem>>, vector<1x16xf32>,
      %swap3A_62 = arith.index_cast %scan3A_47 : i32 to index
      %swap3A_63 = arith.constant 48 : index
      %swap3A_64 = tpu.vector_load %arg10[%swap3A_62, %swap3A_63] {strides = array<i32>} : memref<128x128xf32, #tpu.memory_space<vmem>>, vector<1x16xf32>,
      %swap3A_65 = vector.shape_cast %swap3A_64 : vector<1x16xf32> to vector<16xf32>
      %swap3A_66 = vector.shape_cast %broadcast_in_dim3A_1 : vector<16xf32> to vector<1x16xf32>
      tpu.vector_store %arg10[%swap3A_62, %swap3A_63], %swap3A_66 {strides = array<i32>} : memref<128x128xf32, #tpu.memory_space<vmem>>, vector<1x16xf32>,
      %swap3A_67 = arith.index_cast %scan3A_47 : i32 to index
      %swap3A_68 = arith.constant 64 : index
      %swap3A_69 = tpu.vector_load %arg10[%swap3A_67, %swap3A_68] {strides = array<i32>} : memref<128x128xf32, #tpu.memory_space<vmem>>, vector<1x16xf32>,
      %swap3A_70 = vector.shape_cast %swap3A_69 : vector<1x16xf32> to vector<16xf32>
      %swap3A_71 = vector.shape_cast %broadcast_in_dim3A_1 : vector<16xf32> to vector<1x16xf32>
      tpu.vector_store %arg10[%swap3A_67, %swap3A_68], %swap3A_71 {strides = array<i32>} : memref<128x128xf32, #tpu.memory_space<vmem>>, vector<1x16xf32>,
      %swap3A_72 = arith.index_cast %scan3A_47 : i32 to index
      %swap3A_73 = arith.constant 80 : index
      %swap3A_74 = tpu.vector_load %arg10[%swap3A_72, %swap3A_73] {strides = array<i32>} : memref<128x128xf32, #tpu.memory_space<vmem>>, vector<1x16xf32>,
      %swap3A_75 = vector.shape_cast %swap3A_74 : vector<1x16xf32> to vector<16xf32>
      %swap3A_76 = vector.shape_cast %broadcast_in_dim3A_1 : vector<16xf32> to vector<1x16xf32>
      tpu.vector_store %arg10[%swap3A_72, %swap3A_73], %swap3A_76 {strides = array<i32>} : memref<128x128xf32, #tpu.memory_space<vmem>>, vector<1x16xf32>,
      %swap3A_77 = arith.index_cast %scan3A_47 : i32 to index
      %swap3A_78 = arith.constant 96 : index
      %swap3A_79 = tpu.vector_load %arg10[%swap3A_77, %swap3A_78] {strides = array<i32>} : memref<128x128xf32, #tpu.memory_space<vmem>>, vector<1x16xf32>,
      %swap3A_80 = vector.shape_cast %swap3A_79 : vector<1x16xf32> to vector<16xf32>
      %swap3A_81 = vector.shape_cast %broadcast_in_dim3A_1 : vector<16xf32> to vector<1x16xf32>
      tpu.vector_store %arg10[%swap3A_77, %swap3A_78], %swap3A_81 {strides = array<i32>} : memref<128x128xf32, #tpu.memory_space<vmem>>, vector<1x16xf32>,
      %swap3A_82 = arith.index_cast %scan3A_47 : i32 to index
      %swap3A_83 = arith.constant 112 : index
      %swap3A_84 = tpu.vector_load %arg10[%swap3A_82, %swap3A_83] {strides = array<i32>} : memref<128x128xf32, #tpu.memory_space<vmem>>, vector<1x16xf32>,
      %swap3A_85 = vector.shape_cast %swap3A_84 : vector<1x16xf32> to vector<16xf32>
      %swap3A_86 = vector.shape_cast %broadcast_in_dim3A_1 : vector<16xf32> to vector<1x16xf32>
      tpu.vector_store %arg10[%swap3A_82, %swap3A_83], %swap3A_86 {strides = array<i32>} : memref<128x128xf32, #tpu.memory_space<vmem>>, vector<1x16xf32>,
    }
    %scan3A_6 = arith.constant 128 : i32
    %mul3A_7 = arith.constant 632 : i32
    %mul3A_8 = arith.muli %arg1, %mul3A_7 : i32
    %add3A_9 = arith.constant 0 : i32
    %add3A_10 = arith.addi %mul3A_8, %add3A_9 : i32
    "tpu.region"() ({
      %run_scoped3A = tpu.sem_alloc : memref<!tpu.dma_semaphore, #tpu.memory_space<semaphore_mem>>
      %dma_start3A_47 = arith.constant 0 : i32
      %dma_start3A_48 = tpu.memref_slice %arg12[%add3A_10, %dma_start3A_47] : memref<10112x128xf32, #tpu.memory_space<vmem_shared>> -> memref<128x128xf32, #tpu.memory_space<vmem_shared>>
      %dma_start3A_49 = arith.constant 0 : i32
      %dma_start3A_50 = tpu.memref_slice %arg12[%add3A_10, %dma_start3A_49] : memref<10112x128xf32, #tpu.memory_space<vmem_shared>> -> memref<128x128xf32, #tpu.memory_space<vmem_shared>>
      tpu.enqueue_dma source(%arg10 : memref<128x128xf32, #tpu.memory_space<vmem>>) target(%dma_start3A_50 : memref<128x128xf32, #tpu.memory_space<vmem_shared>>) target_semaphore(%run_scoped3A : memref<!tpu.dma_semaphore, #tpu.memory_space<semaphore_mem>>)
      %dma_wait3A = arith.constant 0 : i32
      %dma_wait3A_51 = tpu.memref_slice %arg12[%add3A_10, %dma_wait3A] : memref<10112x128xf32, #tpu.memory_space<vmem_shared>> -> memref<128x128xf32, #tpu.memory_space<vmem_shared>>
      %dma_wait3A_52 = arith.constant 0 : i32
      %dma_wait3A_53 = tpu.memref_slice %arg12[%add3A_10, %dma_wait3A_52] : memref<10112x128xf32, #tpu.memory_space<vmem_shared>> -> memref<128x128xf32, #tpu.memory_space<vmem_shared>>
      tpu.wait_dma2 semaphore(%run_scoped3A : memref<!tpu.dma_semaphore, #tpu.memory_space<semaphore_mem>>) src(%arg10 : memref<128x128xf32, #tpu.memory_space<vmem>>) dst(%dma_wait3A_53 : memref<128x128xf32, #tpu.memory_space<vmem_shared>>)
      tpu.yield
    }) : () -> ()
    %mul3A_11 = arith.constant 632 : i32
    %mul3A_12 = arith.muli %arg1, %mul3A_11 : i32
    %add3A_13 = arith.constant 128 : i32
    %add3A_14 = arith.addi %mul3A_12, %add3A_13 : i32
    "tpu.region"() ({
      %run_scoped3A = tpu.sem_alloc : memref<!tpu.dma_semaphore, #tpu.memory_space<semaphore_mem>>
      %dma_start3A_47 = arith.constant 0 : i32
      %dma_start3A_48 = tpu.memref_slice %arg12[%add3A_14, %dma_start3A_47] : memref<10112x128xf32, #tpu.memory_space<vmem_shared>> -> memref<128x128xf32, #tpu.memory_space<vmem_shared>>
      %dma_start3A_49 = arith.constant 0 : i32
      %dma_start3A_50 = tpu.memref_slice %arg12[%add3A_14, %dma_start3A_49] : memref<10112x128xf32, #tpu.memory_space<vmem_shared>> -> memref<128x128xf32, #tpu.memory_space<vmem_shared>>
      tpu.enqueue_dma source(%arg10 : memref<128x128xf32, #tpu.memory_space<vmem>>) target(%dma_start3A_50 : memref<128x128xf32, #tpu.memory_space<vmem_shared>>) target_semaphore(%run_scoped3A : memref<!tpu.dma_semaphore, #tpu.memory_space<semaphore_mem>>)
      %dma_wait3A = arith.constant 0 : i32
      %dma_wait3A_51 = tpu.memref_slice %arg12[%add3A_14, %dma_wait3A] : memref<10112x128xf32, #tpu.memory_space<vmem_shared>> -> memref<128x128xf32, #tpu.memory_space<vmem_shared>>
      %dma_wait3A_52 = arith.constant 0 : i32
      %dma_wait3A_53 = tpu.memref_slice %arg12[%add3A_14, %dma_wait3A_52] : memref<10112x128xf32, #tpu.memory_space<vmem_shared>> -> memref<128x128xf32, #tpu.memory_space<vmem_shared>>
      tpu.wait_dma2 semaphore(%run_scoped3A : memref<!tpu.dma_semaphore, #tpu.memory_space<semaphore_mem>>) src(%arg10 : memref<128x128xf32, #tpu.memory_space<vmem>>) dst(%dma_wait3A_53 : memref<128x128xf32, #tpu.memory_space<vmem_shared>>)
      tpu.yield
    }) : () -> ()
    %mul3A_15 = arith.constant 632 : i32
    %mul3A_16 = arith.muli %arg1, %mul3A_15 : i32
    %add3A_17 = arith.constant 256 : i32
    %add3A_18 = arith.addi %mul3A_16, %add3A_17 : i32
    "tpu.region"() ({
      %run_scoped3A = tpu.sem_alloc : memref<!tpu.dma_semaphore, #tpu.memory_space<semaphore_mem>>
      %dma_start3A_47 = arith.constant 0 : i32
      %dma_start3A_48 = tpu.memref_slice %arg12[%add3A_18, %dma_start3A_47] : memref<10112x128xf32, #tpu.memory_space<vmem_shared>> -> memref<128x128xf32, #tpu.memory_space<vmem_shared>>
      %dma_start3A_49 = arith.constant 0 : i32
      %dma_start3A_50 = tpu.memref_slice %arg12[%add3A_18, %dma_start3A_49] : memref<10112x128xf32, #tpu.memory_space<vmem_shared>> -> memref<128x128xf32, #tpu.memory_space<vmem_shared>>
      tpu.enqueue_dma source(%arg10 : memref<128x128xf32, #tpu.memory_space<vmem>>) target(%dma_start3A_50 : memref<128x128xf32, #tpu.memory_space<vmem_shared>>) target_semaphore(%run_scoped3A : memref<!tpu.dma_semaphore, #tpu.memory_space<semaphore_mem>>)
      %dma_wait3A = arith.constant 0 : i32
      %dma_wait3A_51 = tpu.memref_slice %arg12[%add3A_18, %dma_wait3A] : memref<10112x128xf32, #tpu.memory_space<vmem_shared>> -> memref<128x128xf32, #tpu.memory_space<vmem_shared>>
      %dma_wait3A_52 = arith.constant 0 : i32
      %dma_wait3A_53 = tpu.memref_slice %arg12[%add3A_18, %dma_wait3A_52] : memref<10112x128xf32, #tpu.memory_space<vmem_shared>> -> memref<128x128xf32, #tpu.memory_space<vmem_shared>>
      tpu.wait_dma2 semaphore(%run_scoped3A : memref<!tpu.dma_semaphore, #tpu.memory_space<semaphore_mem>>) src(%arg10 : memref<128x128xf32, #tpu.memory_space<vmem>>) dst(%dma_wait3A_53 : memref<128x128xf32, #tpu.memory_space<vmem_shared>>)
      tpu.yield
    }) : () -> ()
    %mul3A_19 = arith.constant 632 : i32
    %mul3A_20 = arith.muli %arg1, %mul3A_19 : i32
    %add3A_21 = arith.constant 384 : i32
    %add3A_22 = arith.addi %mul3A_20, %add3A_21 : i32
    "tpu.region"() ({
      %run_scoped3A = tpu.sem_alloc : memref<!tpu.dma_semaphore, #tpu.memory_space<semaphore_mem>>
      %dma_start3A_47 = arith.constant 0 : i32
      %dma_start3A_48 = tpu.memref_slice %arg12[%add3A_22, %dma_start3A_47] : memref<10112x128xf32, #tpu.memory_space<vmem_shared>> -> memref<128x128xf32, #tpu.memory_space<vmem_shared>>
      %dma_start3A_49 = arith.constant 0 : i32
      %dma_start3A_50 = tpu.memref_slice %arg12[%add3A_22, %dma_start3A_49] : memref<10112x128xf32, #tpu.memory_space<vmem_shared>> -> memref<128x128xf32, #tpu.memory_space<vmem_shared>>
      tpu.enqueue_dma source(%arg10 : memref<128x128xf32, #tpu.memory_space<vmem>>) target(%dma_start3A_50 : memref<128x128xf32, #tpu.memory_space<vmem_shared>>) target_semaphore(%run_scoped3A : memref<!tpu.dma_semaphore, #tpu.memory_space<semaphore_mem>>)
      %dma_wait3A = arith.constant 0 : i32
      %dma_wait3A_51 = tpu.memref_slice %arg12[%add3A_22, %dma_wait3A] : memref<10112x128xf32, #tpu.memory_space<vmem_shared>> -> memref<128x128xf32, #tpu.memory_space<vmem_shared>>
      %dma_wait3A_52 = arith.constant 0 : i32
      %dma_wait3A_53 = tpu.memref_slice %arg12[%add3A_22, %dma_wait3A_52] : memref<10112x128xf32, #tpu.memory_space<vmem_shared>> -> memref<128x128xf32, #tpu.memory_space<vmem_shared>>
      tpu.wait_dma2 semaphore(%run_scoped3A : memref<!tpu.dma_semaphore, #tpu.memory_space<semaphore_mem>>) src(%arg10 : memref<128x128xf32, #tpu.memory_space<vmem>>) dst(%dma_wait3A_53 : memref<128x128xf32, #tpu.memory_space<vmem_shared>>)
      tpu.yield
    }) : () -> ()
    %mul3A_23 = arith.constant 632 : i32
    %mul3A_24 = arith.muli %arg1, %mul3A_23 : i32
    %add3A_25 = arith.constant 512 : i32
    %add3A_26 = arith.addi %mul3A_24, %add3A_25 : i32
    "tpu.region"() ({
      %run_scoped3A = tpu.sem_alloc : memref<!tpu.dma_semaphore, #tpu.memory_space<semaphore_mem>>
      %dma_start3A_47 = arith.constant 0 : i32
      %dma_start3A_48 = arith.constant 0 : i32
      %dma_start3A_49 = tpu.memref_slice %arg10[%dma_start3A_47, %dma_start3A_48] : memref<128x128xf32, #tpu.memory_space<vmem>> -> memref<120x128xf32, #tpu.memory_space<vmem>>
      %dma_start3A_50 = arith.constant 0 : i32
      %dma_start3A_51 = tpu.memref_slice %arg12[%add3A_26, %dma_start3A_50] : memref<10112x128xf32, #tpu.memory_space<vmem_shared>> -> memref<120x128xf32, #tpu.memory_space<vmem_shared>>
      %dma_start3A_52 = arith.constant 0 : i32
      %dma_start3A_53 = tpu.memref_slice %arg12[%add3A_26, %dma_start3A_52] : memref<10112x128xf32, #tpu.memory_space<vmem_shared>> -> memref<120x128xf32, #tpu.memory_space<vmem_shared>>
      %dma_start3A_54 = arith.constant 0 : i32
      %dma_start3A_55 = arith.constant 0 : i32
      %dma_start3A_56 = tpu.memref_slice %arg10[%dma_start3A_54, %dma_start3A_55] : memref<128x128xf32, #tpu.memory_space<vmem>> -> memref<120x128xf32, #tpu.memory_space<vmem>>
      tpu.enqueue_dma source(%dma_start3A_56 : memref<120x128xf32, #tpu.memory_space<vmem>>) target(%dma_start3A_53 : memref<120x128xf32, #tpu.memory_space<vmem_shared>>) target_semaphore(%run_scoped3A : memref<!tpu.dma_semaphore, #tpu.memory_space<semaphore_mem>>)
      %dma_wait3A = arith.constant 0 : i32
      %dma_wait3A_57 = arith.constant 0 : i32
      %dma_wait3A_58 = tpu.memref_slice %arg10[%dma_wait3A, %dma_wait3A_57] : memref<128x128xf32, #tpu.memory_space<vmem>> -> memref<120x128xf32, #tpu.memory_space<vmem>>
      %dma_wait3A_59 = arith.constant 0 : i32
      %dma_wait3A_60 = tpu.memref_slice %arg12[%add3A_26, %dma_wait3A_59] : memref<10112x128xf32, #tpu.memory_space<vmem_shared>> -> memref<120x128xf32, #tpu.memory_space<vmem_shared>>
      %dma_wait3A_61 = arith.constant 0 : i32
      %dma_wait3A_62 = tpu.memref_slice %arg12[%add3A_26, %dma_wait3A_61] : memref<10112x128xf32, #tpu.memory_space<vmem_shared>> -> memref<120x128xf32, #tpu.memory_space<vmem_shared>>
      %dma_wait3A_63 = arith.constant 0 : i32
      %dma_wait3A_64 = arith.constant 0 : i32
      %dma_wait3A_65 = tpu.memref_slice %arg10[%dma_wait3A_63, %dma_wait3A_64] : memref<128x128xf32, #tpu.memory_space<vmem>> -> memref<120x128xf32, #tpu.memory_space<vmem>>
      tpu.wait_dma2 semaphore(%run_scoped3A : memref<!tpu.dma_semaphore, #tpu.memory_space<semaphore_mem>>) src(%dma_wait3A_65 : memref<120x128xf32, #tpu.memory_space<vmem>>) dst(%dma_wait3A_62 : memref<120x128xf32, #tpu.memory_space<vmem_shared>>)
      tpu.yield
    }) : () -> ()
    %barrier3A = arith.constant 0 : index
    tpu.barrier barrier_id(%barrier3A)
    %add3A_27 = arith.constant 0 : i32
    %add3A_28 = arith.addi %add3A_27, %add3A : i32
    %mul3A_29 = arith.constant 128 : i32
    %mul3A_30 = arith.muli %add3A_28, %mul3A_29 : i32
    "tpu.region"() ({
      %run_scoped3A = tpu.sem_alloc : memref<!tpu.dma_semaphore, #tpu.memory_space<semaphore_mem>>
      %dma_start3A_47 = tpu.memref_slice %arg3[%mul3A_30] : memref<327680xi32, #tpu.memory_space<hbm>> -> memref<128xi32, #tpu.memory_space<hbm>>
      %dma_start3A_48 = tpu.memref_slice %arg3[%mul3A_30] : memref<327680xi32, #tpu.memory_space<hbm>> -> memref<128xi32, #tpu.memory_space<hbm>>
      tpu.enqueue_dma source(%dma_start3A_48 : memref<128xi32, #tpu.memory_space<hbm>>) target(%arg6 : memref<128xi32, #tpu.memory_space<vmem>>) target_semaphore(%run_scoped3A : memref<!tpu.dma_semaphore, #tpu.memory_space<semaphore_mem>>)
      %dma_wait3A = tpu.memref_slice %arg3[%mul3A_30] : memref<327680xi32, #tpu.memory_space<hbm>> -> memref<128xi32, #tpu.memory_space<hbm>>
      %dma_wait3A_49 = tpu.memref_slice %arg3[%mul3A_30] : memref<327680xi32, #tpu.memory_space<hbm>> -> memref<128xi32, #tpu.memory_space<hbm>>
      tpu.wait_dma2 semaphore(%run_scoped3A : memref<!tpu.dma_semaphore, #tpu.memory_space<semaphore_mem>>) src(%dma_wait3A_49 : memref<128xi32, #tpu.memory_space<hbm>>) dst(%arg6 : memref<128xi32, #tpu.memory_space<vmem>>)
      tpu.yield
    }) : () -> ()
    "tpu.region"() ({
      %run_scoped3A = tpu.sem_alloc : memref<!tpu.dma_semaphore, #tpu.memory_space<semaphore_mem>>
      %dma_start3A_47 = tpu.memref_slice %arg4[%mul3A_30] : memref<327680xi32, #tpu.memory_space<hbm>> -> memref<128xi32, #tpu.memory_space<hbm>>
      %dma_start3A_48 = tpu.memref_slice %arg4[%mul3A_30] : memref<327680xi32, #tpu.memory_space<hbm>> -> memref<128xi32, #tpu.memory_space<hbm>>
      tpu.enqueue_dma source(%dma_start3A_48 : memref<128xi32, #tpu.memory_space<hbm>>) target(%arg8 : memref<128xi32, #tpu.memory_space<vmem>>) target_semaphore(%run_scoped3A : memref<!tpu.dma_semaphore, #tpu.memory_space<semaphore_mem>>)
      %dma_wait3A = tpu.memref_slice %arg4[%mul3A_30] : memref<327680xi32, #tpu.memory_space<hbm>> -> memref<128xi32, #tpu.memory_space<hbm>>
      %dma_wait3A_49 = tpu.memref_slice %arg4[%mul3A_30] : memref<327680xi32, #tpu.memory_space<hbm>> -> memref<128xi32, #tpu.memory_space<hbm>>
      tpu.wait_dma2 semaphore(%run_scoped3A : memref<!tpu.dma_semaphore, #tpu.memory_space<semaphore_mem>>) src(%dma_wait3A_49 : memref<128xi32, #tpu.memory_space<hbm>>) dst(%arg8 : memref<128xi32, #tpu.memory_space<vmem>>)
      tpu.yield
    }) : () -> ()
    %dma_start3A = arith.constant 0 : i32
    %dma_start3A_31 = arith.constant 0 : i32
    %dma_start3A_32 = tpu.memref_slice %arg2[%dma_start3A, %dma_start3A_31] : memref<10000x128xf32, #tpu.memory_space<hbm>> -> memref<10000x128xf32, #tpu.memory_space<hbm>>
    tpu.enqueue_indirect_dma source(%dma_start3A_32 : memref<10000x128xf32, #tpu.memory_space<hbm>>) target(%arg10 : memref<128x128xf32, #tpu.memory_space<vmem>>) offsets(%arg6 : memref<128xi32, #tpu.memory_space<vmem>>) semaphore(%arg13 : memref<!tpu.dma_semaphore, #tpu.memory_space<semaphore_mem>>)
    %scan3A_33 = arith.constant 0 : i32
    %scan3A_34 = arith.constant 0 : i32
    %scan3A_35 = arith.constant 40 : i32
    %scan3A_36 = arith.addi %scan3A_34, %scan3A_35 : i32
    %scan3A_37 = arith.constant 1 : i32
    scf.for %scan3A_47 = %scan3A_34 to %scan3A_36 step %scan3A_37  : i32 {
      %mul3A_48 = arith.constant 2 : i32
      %mul3A_49 = arith.muli %mul3A_48, %scan3A_47 : i32
      %add3A_50 = arith.constant 1 : i32
      %add3A_51 = arith.addi %mul3A_49, %add3A_50 : i32
      %mul3A_52 = arith.constant 32 : i32
      %mul3A_53 = arith.muli %add3A_51, %mul3A_52 : i32
      %add3A_54 = arith.addi %mul3A_53, %add3A : i32
      %mul3A_55 = arith.constant 128 : i32
      %mul3A_56 = arith.muli %add3A_54, %mul3A_55 : i32
      "tpu.region"() ({
        %run_scoped3A = tpu.sem_alloc : memref<!tpu.dma_semaphore, #tpu.memory_space<semaphore_mem>>
        %dma_start3A_67 = tpu.memref_slice %arg3[%mul3A_56] : memref<327680xi32, #tpu.memory_space<hbm>> -> memref<128xi32, #tpu.memory_space<hbm>>
        %dma_start3A_68 = tpu.memref_slice %arg3[%mul3A_56] : memref<327680xi32, #tpu.memory_space<hbm>> -> memref<128xi32, #tpu.memory_space<hbm>>
        tpu.enqueue_dma source(%dma_start3A_68 : memref<128xi32, #tpu.memory_space<hbm>>) target(%arg7 : memref<128xi32, #tpu.memory_space<vmem>>) target_semaphore(%run_scoped3A : memref<!tpu.dma_semaphore, #tpu.memory_space<semaphore_mem>>)
        %dma_wait3A_69 = tpu.memref_slice %arg3[%mul3A_56] : memref<327680xi32, #tpu.memory_space<hbm>> -> memref<128xi32, #tpu.memory_space<hbm>>
        %dma_wait3A_70 = tpu.memref_slice %arg3[%mul3A_56] : memref<327680xi32, #tpu.memory_space<hbm>> -> memref<128xi32, #tpu.memory_space<hbm>>
        tpu.wait_dma2 semaphore(%run_scoped3A : memref<!tpu.dma_semaphore, #tpu.memory_space<semaphore_mem>>) src(%dma_wait3A_70 : memref<128xi32, #tpu.memory_space<hbm>>) dst(%arg7 : memref<128xi32, #tpu.memory_space<vmem>>)
        tpu.yield
      }) : () -> ()
      "tpu.region"() ({
        %run_scoped3A = tpu.sem_alloc : memref<!tpu.dma_semaphore, #tpu.memory_space<semaphore_mem>>
        %dma_start3A_67 = tpu.memref_slice %arg4[%mul3A_56] : memref<327680xi32, #tpu.memory_space<hbm>> -> memref<128xi32, #tpu.memory_space<hbm>>
        %dma_start3A_68 = tpu.memref_slice %arg4[%mul3A_56] : memref<327680xi32, #tpu.memory_space<hbm>> -> memref<128xi32, #tpu.memory_space<hbm>>
        tpu.enqueue_dma source(%dma_start3A_68 : memref<128xi32, #tpu.memory_space<hbm>>) target(%arg9 : memref<128xi32, #tpu.memory_space<vmem>>) target_semaphore(%run_scoped3A : memref<!tpu.dma_semaphore, #tpu.memory_space<semaphore_mem>>)
        %dma_wait3A_69 = tpu.memref_slice %arg4[%mul3A_56] : memref<327680xi32, #tpu.memory_space<hbm>> -> memref<128xi32, #tpu.memory_space<hbm>>
        %dma_wait3A_70 = tpu.memref_slice %arg4[%mul3A_56] : memref<327680xi32, #tpu.memory_space<hbm>> -> memref<128xi32, #tpu.memory_space<hbm>>
        tpu.wait_dma2 semaphore(%run_scoped3A : memref<!tpu.dma_semaphore, #tpu.memory_space<semaphore_mem>>) src(%dma_wait3A_70 : memref<128xi32, #tpu.memory_space<hbm>>) dst(%arg9 : memref<128xi32, #tpu.memory_space<vmem>>)
        tpu.yield
      }) : () -> ()
      %dma_start3A_57 = arith.constant 0 : i32
      %dma_start3A_58 = arith.constant 0 : i32
      %dma_start3A_59 = tpu.memref_slice %arg2[%dma_start3A_57, %dma_start3A_58] : memref<10000x128xf32, #tpu.memory_space<hbm>> -> memref<10000x128xf32, #tpu.memory_space<hbm>>
      tpu.enqueue_indirect_dma source(%dma_start3A_59 : memref<10000x128xf32, #tpu.memory_space<hbm>>) target(%arg11 : memref<128x128xf32, #tpu.memory_space<vmem>>) offsets(%arg7 : memref<128xi32, #tpu.memory_space<vmem>>) semaphore(%arg14 : memref<!tpu.dma_semaphore, #tpu.memory_space<semaphore_mem>>)
      %dma_wait3A = arith.constant 0 : i32
      %dma_wait3A_60 = arith.constant 0 : i32
      %dma_wait3A_61 = tpu.memref_slice %arg2[%dma_wait3A, %dma_wait3A_60] : memref<10000x128xf32, #tpu.memory_space<hbm>> -> memref<10000x128xf32, #tpu.memory_space<hbm>>
      tpu.wait_indirect_dma semaphore(%arg13 : memref<!tpu.dma_semaphore, #tpu.memory_space<semaphore_mem>>) src(%dma_wait3A_61 : memref<10000x128xf32, #tpu.memory_space<hbm>>) dst(%arg10 : memref<128x128xf32, #tpu.memory_space<vmem>>)
      "tpu.region"() ({
        %run_scoped3A = tpu.sem_alloc : memref<!tpu.dma_semaphore, #tpu.memory_space<semaphore_mem>>
        %dma_start3A_67 = arith.constant 0 : i32
        %dma_start3A_68 = arith.constant 0 : i32
        %dma_start3A_69 = tpu.memref_slice %arg12[%dma_start3A_67, %dma_start3A_68] : memref<10112x128xf32, #tpu.memory_space<vmem_shared>> -> memref<10112x128xf32, #tpu.memory_space<vmem_shared>>
        tpu.enqueue_indirect_dma source(%arg10 : memref<128x128xf32, #tpu.memory_space<vmem>>) target(%dma_start3A_69 : memref<10112x128xf32, #tpu.memory_space<vmem_shared>>) offsets(%arg8 : memref<128xi32, #tpu.memory_space<vmem>>) semaphore(%run_scoped3A : memref<!tpu.dma_semaphore, #tpu.memory_space<semaphore_mem>>) {add = true}
        %dma_wait3A_70 = arith.constant 0 : i32
        %dma_wait3A_71 = arith.constant 0 : i32
        %dma_wait3A_72 = tpu.memref_slice %arg12[%dma_wait3A_70, %dma_wait3A_71] : memref<10112x128xf32, #tpu.memory_space<vmem_shared>> -> memref<10112x128xf32, #tpu.memory_space<vmem_shared>>
        tpu.wait_indirect_dma semaphore(%run_scoped3A : memref<!tpu.dma_semaphore, #tpu.memory_space<semaphore_mem>>) src(%arg10 : memref<128x128xf32, #tpu.memory_space<vmem>>) dst(%dma_wait3A_72 : memref<10112x128xf32, #tpu.memory_space<vmem_shared>>)
        tpu.yield
      }) : () -> ()
      %lt3A = arith.constant 39 : i32
      %lt3A_62 = arith.cmpi slt, %scan3A_47, %lt3A : i32
      %convert_element_type3A = arith.extui %lt3A_62 : i1 to i32
      %cond3A = arith.constant 0 : i32
      %cond3A_63 = arith.cmpi ne, %convert_element_type3A, %cond3A : i32
      scf.if %cond3A_63 {
        %mul3A_67 = arith.constant 2 : i32
        %mul3A_68 = arith.muli %mul3A_67, %scan3A_47 : i32
        %add3A_69 = arith.constant 2 : i32
        %add3A_70 = arith.addi %mul3A_68, %add3A_69 : i32
        %mul3A_71 = arith.constant 32 : i32
        %mul3A_72 = arith.muli %add3A_70, %mul3A_71 : i32
        %add3A_73 = arith.addi %mul3A_72, %add3A : i32
        %mul3A_74 = arith.constant 128 : i32
        %mul3A_75 = arith.muli %add3A_73, %mul3A_74 : i32
        "tpu.region"() ({
          %run_scoped3A = tpu.sem_alloc : memref<!tpu.dma_semaphore, #tpu.memory_space<semaphore_mem>>
          %dma_start3A_79 = tpu.memref_slice %arg3[%mul3A_75] : memref<327680xi32, #tpu.memory_space<hbm>> -> memref<128xi32, #tpu.memory_space<hbm>>
          %dma_start3A_80 = tpu.memref_slice %arg3[%mul3A_75] : memref<327680xi32, #tpu.memory_space<hbm>> -> memref<128xi32, #tpu.memory_space<hbm>>
          tpu.enqueue_dma source(%dma_start3A_80 : memref<128xi32, #tpu.memory_space<hbm>>) target(%arg6 : memref<128xi32, #tpu.memory_space<vmem>>) target_semaphore(%run_scoped3A : memref<!tpu.dma_semaphore, #tpu.memory_space<semaphore_mem>>)
          %dma_wait3A_81 = tpu.memref_slice %arg3[%mul3A_75] : memref<327680xi32, #tpu.memory_space<hbm>> -> memref<128xi32, #tpu.memory_space<hbm>>
          %dma_wait3A_82 = tpu.memref_slice %arg3[%mul3A_75] : memref<327680xi32, #tpu.memory_space<hbm>> -> memref<128xi32, #tpu.memory_space<hbm>>
          tpu.wait_dma2 semaphore(%run_scoped3A : memref<!tpu.dma_semaphore, #tpu.memory_space<semaphore_mem>>) src(%dma_wait3A_82 : memref<128xi32, #tpu.memory_space<hbm>>) dst(%arg6 : memref<128xi32, #tpu.memory_space<vmem>>)
          tpu.yield
        }) : () -> ()
        "tpu.region"() ({
          %run_scoped3A = tpu.sem_alloc : memref<!tpu.dma_semaphore, #tpu.memory_space<semaphore_mem>>
          %dma_start3A_79 = tpu.memref_slice %arg4[%mul3A_75] : memref<327680xi32, #tpu.memory_space<hbm>> -> memref<128xi32, #tpu.memory_space<hbm>>
          %dma_start3A_80 = tpu.memref_slice %arg4[%mul3A_75] : memref<327680xi32, #tpu.memory_space<hbm>> -> memref<128xi32, #tpu.memory_space<hbm>>
          tpu.enqueue_dma source(%dma_start3A_80 : memref<128xi32, #tpu.memory_space<hbm>>) target(%arg8 : memref<128xi32, #tpu.memory_space<vmem>>) target_semaphore(%run_scoped3A : memref<!tpu.dma_semaphore, #tpu.memory_space<semaphore_mem>>)
          %dma_wait3A_81 = tpu.memref_slice %arg4[%mul3A_75] : memref<327680xi32, #tpu.memory_space<hbm>> -> memref<128xi32, #tpu.memory_space<hbm>>
          %dma_wait3A_82 = tpu.memref_slice %arg4[%mul3A_75] : memref<327680xi32, #tpu.memory_space<hbm>> -> memref<128xi32, #tpu.memory_space<hbm>>
          tpu.wait_dma2 semaphore(%run_scoped3A : memref<!tpu.dma_semaphore, #tpu.memory_space<semaphore_mem>>) src(%dma_wait3A_82 : memref<128xi32, #tpu.memory_space<hbm>>) dst(%arg8 : memref<128xi32, #tpu.memory_space<vmem>>)
          tpu.yield
        }) : () -> ()
        %dma_start3A_76 = arith.constant 0 : i32
        %dma_start3A_77 = arith.constant 0 : i32
        %dma_start3A_78 = tpu.memref_slice %arg2[%dma_start3A_76, %dma_start3A_77] : memref<10000x128xf32, #tpu.memory_space<hbm>> -> memref<10000x128xf32, #tpu.memory_space<hbm>>
        tpu.enqueue_indirect_dma source(%dma_start3A_78 : memref<10000x128xf32, #tpu.memory_space<hbm>>) target(%arg10 : memref<128x128xf32, #tpu.memory_space<vmem>>) offsets(%arg6 : memref<128xi32, #tpu.memory_space<vmem>>) semaphore(%arg13 : memref<!tpu.dma_semaphore, #tpu.memory_space<semaphore_mem>>)
      } else {
      }
      %dma_wait3A_64 = arith.constant 0 : i32
      %dma_wait3A_65 = arith.constant 0 : i32
      %dma_wait3A_66 = tpu.memref_slice %arg2[%dma_wait3A_64, %dma_wait3A_65] : memref<10000x128xf32, #tpu.memory_space<hbm>> -> memref<10000x128xf32, #tpu.memory_space<hbm>>
      tpu.wait_indirect_dma semaphore(%arg14 : memref<!tpu.dma_semaphore, #tpu.memory_space<semaphore_mem>>) src(%dma_wait3A_66 : memref<10000x128xf32, #tpu.memory_space<hbm>>) dst(%arg11 : memref<128x128xf32, #tpu.memory_space<vmem>>)
      "tpu.region"() ({
        %run_scoped3A = tpu.sem_alloc : memref<!tpu.dma_semaphore, #tpu.memory_space<semaphore_mem>>
        %dma_start3A_67 = arith.constant 0 : i32
        %dma_start3A_68 = arith.constant 0 : i32
        %dma_start3A_69 = tpu.memref_slice %arg12[%dma_start3A_67, %dma_start3A_68] : memref<10112x128xf32, #tpu.memory_space<vmem_shared>> -> memref<10112x128xf32, #tpu.memory_space<vmem_shared>>
        tpu.enqueue_indirect_dma source(%arg11 : memref<128x128xf32, #tpu.memory_space<vmem>>) target(%dma_start3A_69 : memref<10112x128xf32, #tpu.memory_space<vmem_shared>>) offsets(%arg9 : memref<128xi32, #tpu.memory_space<vmem>>) semaphore(%run_scoped3A : memref<!tpu.dma_semaphore, #tpu.memory_space<semaphore_mem>>) {add = true}
        %dma_wait3A_70 = arith.constant 0 : i32
        %dma_wait3A_71 = arith.constant 0 : i32
        %dma_wait3A_72 = tpu.memref_slice %arg12[%dma_wait3A_70, %dma_wait3A_71] : memref<10112x128xf32, #tpu.memory_space<vmem_shared>> -> memref<10112x128xf32, #tpu.memory_space<vmem_shared>>
        tpu.wait_indirect_dma semaphore(%run_scoped3A : memref<!tpu.dma_semaphore, #tpu.memory_space<semaphore_mem>>) src(%arg11 : memref<128x128xf32, #tpu.memory_space<vmem>>) dst(%dma_wait3A_72 : memref<10112x128xf32, #tpu.memory_space<vmem_shared>>)
        tpu.yield
      }) : () -> ()
    }
    %scan3A_38 = arith.constant 40 : i32
    %barrier3A_39 = arith.constant 0 : index
    tpu.barrier barrier_id(%barrier3A_39)
    %mul3A_40 = arith.constant 632 : i32
    %mul3A_41 = arith.muli %arg1, %mul3A_40 : i32
    %mul3A_42 = arith.constant 10112 : i32
    %mul3A_43 = arith.muli %arg0, %mul3A_42 : i32
    %mul3A_44 = arith.constant 632 : i32
    %mul3A_45 = arith.muli %arg1, %mul3A_44 : i32
    %add3A_46 = arith.addi %mul3A_43, %mul3A_45 : i32
    "tpu.region"() ({
      %run_scoped3A = tpu.sem_alloc : memref<!tpu.dma_semaphore, #tpu.memory_space<semaphore_mem>>
      %dma_start3A_47 = arith.constant 0 : i32
      %dma_start3A_48 = tpu.memref_slice %arg5[%add3A_46, %dma_start3A_47] : memref<20224x128xf32, #tpu.memory_space<hbm>> -> memref<632x128xf32, #tpu.memory_space<hbm>>
      %dma_start3A_49 = arith.constant 0 : i32
      %dma_start3A_50 = tpu.memref_slice %arg12[%mul3A_41, %dma_start3A_49] : memref<10112x128xf32, #tpu.memory_space<vmem_shared>> -> memref<632x128xf32, #tpu.memory_space<vmem_shared>>
      tpu.enqueue_dma source(%dma_start3A_50 : memref<632x128xf32, #tpu.memory_space<vmem_shared>>) target(%dma_start3A_48 : memref<632x128xf32, #tpu.memory_space<hbm>>) target_semaphore(%run_scoped3A : memref<!tpu.dma_semaphore, #tpu.memory_space<semaphore_mem>>)
      %dma_wait3A = arith.constant 0 : i32
      %dma_wait3A_51 = tpu.memref_slice %arg5[%add3A_46, %dma_wait3A] : memref<20224x128xf32, #tpu.memory_space<hbm>> -> memref<632x128xf32, #tpu.memory_space<hbm>>
      %dma_wait3A_52 = arith.constant 0 : i32
      %dma_wait3A_53 = tpu.memref_slice %arg12[%mul3A_41, %dma_wait3A_52] : memref<10112x128xf32, #tpu.memory_space<vmem_shared>> -> memref<632x128xf32, #tpu.memory_space<vmem_shared>>
      tpu.wait_dma2 semaphore(%run_scoped3A : memref<!tpu.dma_semaphore, #tpu.memory_space<semaphore_mem>>) src(%dma_wait3A_53 : memref<632x128xf32, #tpu.memory_space<vmem_shared>>) dst(%dma_wait3A_51 : memref<632x128xf32, #tpu.memory_space<hbm>>)
      tpu.yield
    }) : () -> ()
    return
  }
}

#map = affine_map<(d0, d1) -> (0, 0)>
#map1 = affine_map<(d0, d1) -> (0)>
module attributes {stable_mosaic.version = 14 : i64} {
  func.func @agg(%arg0: i32, %arg1: i32, %arg2: memref<10000x128xf32, #tpu.memory_space<hbm>>, %arg3: memref<327680xi32, #tpu.memory_space<hbm>>, %arg4: memref<327680xi32, #tpu.memory_space<hbm>>, %arg5: memref<20224x128xf32, #tpu.memory_space<hbm>>, %arg6: memref<128xi32, #tpu.memory_space<vmem>>, %arg7: memref<128xi32, #tpu.memory_space<vmem>>, %arg8: memref<128xi32, #tpu.memory_space<vmem>>, %arg9: memref<128xi32, #tpu.memory_space<vmem>>, %arg10: memref<128x128xf32, #tpu.memory_space<vmem>>, %arg11: memref<128x128xf32, #tpu.memory_space<vmem>>, %arg12: memref<10112x128xf32, #tpu.memory_space<vmem_shared>>, %arg13: memref<!tpu.dma_semaphore, #tpu.memory_space<semaphore_mem>>, %arg14: memref<!tpu.dma_semaphore, #tpu.memory_space<semaphore_mem>>) attributes {dimension_semantics = [#tpu.dimension_semantics<core_parallel>, #tpu.dimension_semantics<subcore_parallel>], iteration_bounds = array<i64: 2, 16>, scalar_prefetch = 0 : i64, scratch_operands = 9 : i64, tpu.core_type = #tpu.core_type<sc_vector_subcore>, window_params = [{transform_indices = #map}, {transform_indices = #map1}, {transform_indices = #map1}, {transform_indices = #map}]} {
    %mul3A = arith.constant 2 : i32
    %mul3A_0 = arith.muli %arg1, %mul3A : i32
    %add3A = arith.addi %mul3A_0, %arg0 : i32
    %broadcast_in_dim3A = arith.constant 0.000000e+00 : f32
    %broadcast_in_dim3A_1 = vector.broadcast %broadcast_in_dim3A : f32 to vector<16xf32>
    %scan3A = arith.constant 0 : i32
    %scan3A_2 = arith.constant 0 : i32
    %scan3A_3 = arith.constant 128 : i32
    %scan3A_4 = arith.addi %scan3A_2, %scan3A_3 : i32
    %scan3A_5 = arith.constant 1 : i32
    scf.for %scan3A_47 = %scan3A_2 to %scan3A_4 step %scan3A_5  : i32 {
      %swap3A = arith.index_cast %scan3A_47 : i32 to index
      %swap3A_48 = arith.constant 0 : index
      %swap3A_49 = tpu.vector_load %arg10[%swap3A, %swap3A_48] {strides = array<i32>} : memref<128x128xf32, #tpu.memory_space<vmem>>, vector<1x16xf32>,
      %swap3A_50 = vector.shape_cast %swap3A_49 : vector<1x16xf32> to vector<16xf32>
      %swap3A_51 = vector.shape_cast %broadcast_in_dim3A_1 : vector<16xf32> to vector<1x16xf32>
      tpu.vector_store %arg10[%swap3A, %swap3A_48], %swap3A_51 {strides = array<i32>} : memref<128x128xf32, #tpu.memory_space<vmem>>, vector<1x16xf32>,
      %swap3A_52 = arith.index_cast %scan3A_47 : i32 to index
      %swap3A_53 = arith.constant 16 : index
      %swap3A_54 = tpu.vector_load %arg10[%swap3A_52, %swap3A_53] {strides = array<i32>} : memref<128x128xf32, #tpu.memory_space<vmem>>, vector<1x16xf32>,
      %swap3A_55 = vector.shape_cast %swap3A_54 : vector<1x16xf32> to vector<16xf32>
      %swap3A_56 = vector.shape_cast %broadcast_in_dim3A_1 : vector<16xf32> to vector<1x16xf32>
      tpu.vector_store %arg10[%swap3A_52, %swap3A_53], %swap3A_56 {strides = array<i32>} : memref<128x128xf32, #tpu.memory_space<vmem>>, vector<1x16xf32>,
      %swap3A_57 = arith.index_cast %scan3A_47 : i32 to index
      %swap3A_58 = arith.constant 32 : index
      %swap3A_59 = tpu.vector_load %arg10[%swap3A_57, %swap3A_58] {strides = array<i32>} : memref<128x128xf32, #tpu.memory_space<vmem>>, vector<1x16xf32>,
      %swap3A_60 = vector.shape_cast %swap3A_59 : vector<1x16xf32> to vector<16xf32>
      %swap3A_61 = vector.shape_cast %broadcast_in_dim3A_1 : vector<16xf32> to vector<1x16xf32>
      tpu.vector_store %arg10[%swap3A_57, %swap3A_58], %swap3A_61 {strides = array<i32>} : memref<128x128xf32, #tpu.memory_space<vmem>>, vector<1x16xf32>,
      %swap3A_62 = arith.index_cast %scan3A_47 : i32 to index
      %swap3A_63 = arith.constant 48 : index
      %swap3A_64 = tpu.vector_load %arg10[%swap3A_62, %swap3A_63] {strides = array<i32>} : memref<128x128xf32, #tpu.memory_space<vmem>>, vector<1x16xf32>,
      %swap3A_65 = vector.shape_cast %swap3A_64 : vector<1x16xf32> to vector<16xf32>
      %swap3A_66 = vector.shape_cast %broadcast_in_dim3A_1 : vector<16xf32> to vector<1x16xf32>
      tpu.vector_store %arg10[%swap3A_62, %swap3A_63], %swap3A_66 {strides = array<i32>} : memref<128x128xf32, #tpu.memory_space<vmem>>, vector<1x16xf32>,
      %swap3A_67 = arith.index_cast %scan3A_47 : i32 to index
      %swap3A_68 = arith.constant 64 : index
      %swap3A_69 = tpu.vector_load %arg10[%swap3A_67, %swap3A_68] {strides = array<i32>} : memref<128x128xf32, #tpu.memory_space<vmem>>, vector<1x16xf32>,
      %swap3A_70 = vector.shape_cast %swap3A_69 : vector<1x16xf32> to vector<16xf32>
      %swap3A_71 = vector.shape_cast %broadcast_in_dim3A_1 : vector<16xf32> to vector<1x16xf32>
      tpu.vector_store %arg10[%swap3A_67, %swap3A_68], %swap3A_71 {strides = array<i32>} : memref<128x128xf32, #tpu.memory_space<vmem>>, vector<1x16xf32>,
      %swap3A_72 = arith.index_cast %scan3A_47 : i32 to index
      %swap3A_73 = arith.constant 80 : index
      %swap3A_74 = tpu.vector_load %arg10[%swap3A_72, %swap3A_73] {strides = array<i32>} : memref<128x128xf32, #tpu.memory_space<vmem>>, vector<1x16xf32>,
      %swap3A_75 = vector.shape_cast %swap3A_74 : vector<1x16xf32> to vector<16xf32>
      %swap3A_76 = vector.shape_cast %broadcast_in_dim3A_1 : vector<16xf32> to vector<1x16xf32>
      tpu.vector_store %arg10[%swap3A_72, %swap3A_73], %swap3A_76 {strides = array<i32>} : memref<128x128xf32, #tpu.memory_space<vmem>>, vector<1x16xf32>,
      %swap3A_77 = arith.index_cast %scan3A_47 : i32 to index
      %swap3A_78 = arith.constant 96 : index
      %swap3A_79 = tpu.vector_load %arg10[%swap3A_77, %swap3A_78] {strides = array<i32>} : memref<128x128xf32, #tpu.memory_space<vmem>>, vector<1x16xf32>,
      %swap3A_80 = vector.shape_cast %swap3A_79 : vector<1x16xf32> to vector<16xf32>
      %swap3A_81 = vector.shape_cast %broadcast_in_dim3A_1 : vector<16xf32> to vector<1x16xf32>
      tpu.vector_store %arg10[%swap3A_77, %swap3A_78], %swap3A_81 {strides = array<i32>} : memref<128x128xf32, #tpu.memory_space<vmem>>, vector<1x16xf32>,
      %swap3A_82 = arith.index_cast %scan3A_47 : i32 to index
      %swap3A_83 = arith.constant 112 : index
      %swap3A_84 = tpu.vector_load %arg10[%swap3A_82, %swap3A_83] {strides = array<i32>} : memref<128x128xf32, #tpu.memory_space<vmem>>, vector<1x16xf32>,
      %swap3A_85 = vector.shape_cast %swap3A_84 : vector<1x16xf32> to vector<16xf32>
      %swap3A_86 = vector.shape_cast %broadcast_in_dim3A_1 : vector<16xf32> to vector<1x16xf32>
      tpu.vector_store %arg10[%swap3A_82, %swap3A_83], %swap3A_86 {strides = array<i32>} : memref<128x128xf32, #tpu.memory_space<vmem>>, vector<1x16xf32>,
    }
    %scan3A_6 = arith.constant 128 : i32
    %mul3A_7 = arith.constant 632 : i32
    %mul3A_8 = arith.muli %arg1, %mul3A_7 : i32
    %add3A_9 = arith.constant 0 : i32
    %add3A_10 = arith.addi %mul3A_8, %add3A_9 : i32
    "tpu.region"() ({
      %run_scoped3A = tpu.sem_alloc : memref<!tpu.dma_semaphore, #tpu.memory_space<semaphore_mem>>
      %dma_start3A_47 = arith.constant 0 : i32
      %dma_start3A_48 = tpu.memref_slice %arg12[%add3A_10, %dma_start3A_47] : memref<10112x128xf32, #tpu.memory_space<vmem_shared>> -> memref<128x128xf32, #tpu.memory_space<vmem_shared>>
      %dma_start3A_49 = arith.constant 0 : i32
      %dma_start3A_50 = tpu.memref_slice %arg12[%add3A_10, %dma_start3A_49] : memref<10112x128xf32, #tpu.memory_space<vmem_shared>> -> memref<128x128xf32, #tpu.memory_space<vmem_shared>>
      tpu.enqueue_dma source(%arg10 : memref<128x128xf32, #tpu.memory_space<vmem>>) target(%dma_start3A_50 : memref<128x128xf32, #tpu.memory_space<vmem_shared>>) target_semaphore(%run_scoped3A : memref<!tpu.dma_semaphore, #tpu.memory_space<semaphore_mem>>)
      %dma_wait3A = arith.constant 0 : i32
      %dma_wait3A_51 = tpu.memref_slice %arg12[%add3A_10, %dma_wait3A] : memref<10112x128xf32, #tpu.memory_space<vmem_shared>> -> memref<128x128xf32, #tpu.memory_space<vmem_shared>>
      %dma_wait3A_52 = arith.constant 0 : i32
      %dma_wait3A_53 = tpu.memref_slice %arg12[%add3A_10, %dma_wait3A_52] : memref<10112x128xf32, #tpu.memory_space<vmem_shared>> -> memref<128x128xf32, #tpu.memory_space<vmem_shared>>
      tpu.wait_dma2 semaphore(%run_scoped3A : memref<!tpu.dma_semaphore, #tpu.memory_space<semaphore_mem>>) src(%arg10 : memref<128x128xf32, #tpu.memory_space<vmem>>) dst(%dma_wait3A_53 : memref<128x128xf32, #tpu.memory_space<vmem_shared>>)
      tpu.yield
    }) : () -> ()
    %mul3A_11 = arith.constant 632 : i32
    %mul3A_12 = arith.muli %arg1, %mul3A_11 : i32
    %add3A_13 = arith.constant 128 : i32
    %add3A_14 = arith.addi %mul3A_12, %add3A_13 : i32
    "tpu.region"() ({
      %run_scoped3A = tpu.sem_alloc : memref<!tpu.dma_semaphore, #tpu.memory_space<semaphore_mem>>
      %dma_start3A_47 = arith.constant 0 : i32
      %dma_start3A_48 = tpu.memref_slice %arg12[%add3A_14, %dma_start3A_47] : memref<10112x128xf32, #tpu.memory_space<vmem_shared>> -> memref<128x128xf32, #tpu.memory_space<vmem_shared>>
      %dma_start3A_49 = arith.constant 0 : i32
      %dma_start3A_50 = tpu.memref_slice %arg12[%add3A_14, %dma_start3A_49] : memref<10112x128xf32, #tpu.memory_space<vmem_shared>> -> memref<128x128xf32, #tpu.memory_space<vmem_shared>>
      tpu.enqueue_dma source(%arg10 : memref<128x128xf32, #tpu.memory_space<vmem>>) target(%dma_start3A_50 : memref<128x128xf32, #tpu.memory_space<vmem_shared>>) target_semaphore(%run_scoped3A : memref<!tpu.dma_semaphore, #tpu.memory_space<semaphore_mem>>)
      %dma_wait3A = arith.constant 0 : i32
      %dma_wait3A_51 = tpu.memref_slice %arg12[%add3A_14, %dma_wait3A] : memref<10112x128xf32, #tpu.memory_space<vmem_shared>> -> memref<128x128xf32, #tpu.memory_space<vmem_shared>>
      %dma_wait3A_52 = arith.constant 0 : i32
      %dma_wait3A_53 = tpu.memref_slice %arg12[%add3A_14, %dma_wait3A_52] : memref<10112x128xf32, #tpu.memory_space<vmem_shared>> -> memref<128x128xf32, #tpu.memory_space<vmem_shared>>
      tpu.wait_dma2 semaphore(%run_scoped3A : memref<!tpu.dma_semaphore, #tpu.memory_space<semaphore_mem>>) src(%arg10 : memref<128x128xf32, #tpu.memory_space<vmem>>) dst(%dma_wait3A_53 : memref<128x128xf32, #tpu.memory_space<vmem_shared>>)
      tpu.yield
    }) : () -> ()
    %mul3A_15 = arith.constant 632 : i32
    %mul3A_16 = arith.muli %arg1, %mul3A_15 : i32
    %add3A_17 = arith.constant 256 : i32
    %add3A_18 = arith.addi %mul3A_16, %add3A_17 : i32
    "tpu.region"() ({
      %run_scoped3A = tpu.sem_alloc : memref<!tpu.dma_semaphore, #tpu.memory_space<semaphore_mem>>
      %dma_start3A_47 = arith.constant 0 : i32
      %dma_start3A_48 = tpu.memref_slice %arg12[%add3A_18, %dma_start3A_47] : memref<10112x128xf32, #tpu.memory_space<vmem_shared>> -> memref<128x128xf32, #tpu.memory_space<vmem_shared>>
      %dma_start3A_49 = arith.constant 0 : i32
      %dma_start3A_50 = tpu.memref_slice %arg12[%add3A_18, %dma_start3A_49] : memref<10112x128xf32, #tpu.memory_space<vmem_shared>> -> memref<128x128xf32, #tpu.memory_space<vmem_shared>>
      tpu.enqueue_dma source(%arg10 : memref<128x128xf32, #tpu.memory_space<vmem>>) target(%dma_start3A_50 : memref<128x128xf32, #tpu.memory_space<vmem_shared>>) target_semaphore(%run_scoped3A : memref<!tpu.dma_semaphore, #tpu.memory_space<semaphore_mem>>)
      %dma_wait3A = arith.constant 0 : i32
      %dma_wait3A_51 = tpu.memref_slice %arg12[%add3A_18, %dma_wait3A] : memref<10112x128xf32, #tpu.memory_space<vmem_shared>> -> memref<128x128xf32, #tpu.memory_space<vmem_shared>>
      %dma_wait3A_52 = arith.constant 0 : i32
      %dma_wait3A_53 = tpu.memref_slice %arg12[%add3A_18, %dma_wait3A_52] : memref<10112x128xf32, #tpu.memory_space<vmem_shared>> -> memref<128x128xf32, #tpu.memory_space<vmem_shared>>
      tpu.wait_dma2 semaphore(%run_scoped3A : memref<!tpu.dma_semaphore, #tpu.memory_space<semaphore_mem>>) src(%arg10 : memref<128x128xf32, #tpu.memory_space<vmem>>) dst(%dma_wait3A_53 : memref<128x128xf32, #tpu.memory_space<vmem_shared>>)
      tpu.yield
    }) : () -> ()
    %mul3A_19 = arith.constant 632 : i32
    %mul3A_20 = arith.muli %arg1, %mul3A_19 : i32
    %add3A_21 = arith.constant 384 : i32
    %add3A_22 = arith.addi %mul3A_20, %add3A_21 : i32
    "tpu.region"() ({
      %run_scoped3A = tpu.sem_alloc : memref<!tpu.dma_semaphore, #tpu.memory_space<semaphore_mem>>
      %dma_start3A_47 = arith.constant 0 : i32
      %dma_start3A_48 = tpu.memref_slice %arg12[%add3A_22, %dma_start3A_47] : memref<10112x128xf32, #tpu.memory_space<vmem_shared>> -> memref<128x128xf32, #tpu.memory_space<vmem_shared>>
      %dma_start3A_49 = arith.constant 0 : i32
      %dma_start3A_50 = tpu.memref_slice %arg12[%add3A_22, %dma_start3A_49] : memref<10112x128xf32, #tpu.memory_space<vmem_shared>> -> memref<128x128xf32, #tpu.memory_space<vmem_shared>>
      tpu.enqueue_dma source(%arg10 : memref<128x128xf32, #tpu.memory_space<vmem>>) target(%dma_start3A_50 : memref<128x128xf32, #tpu.memory_space<vmem_shared>>) target_semaphore(%run_scoped3A : memref<!tpu.dma_semaphore, #tpu.memory_space<semaphore_mem>>)
      %dma_wait3A = arith.constant 0 : i32
      %dma_wait3A_51 = tpu.memref_slice %arg12[%add3A_22, %dma_wait3A] : memref<10112x128xf32, #tpu.memory_space<vmem_shared>> -> memref<128x128xf32, #tpu.memory_space<vmem_shared>>
      %dma_wait3A_52 = arith.constant 0 : i32
      %dma_wait3A_53 = tpu.memref_slice %arg12[%add3A_22, %dma_wait3A_52] : memref<10112x128xf32, #tpu.memory_space<vmem_shared>> -> memref<128x128xf32, #tpu.memory_space<vmem_shared>>
      tpu.wait_dma2 semaphore(%run_scoped3A : memref<!tpu.dma_semaphore, #tpu.memory_space<semaphore_mem>>) src(%arg10 : memref<128x128xf32, #tpu.memory_space<vmem>>) dst(%dma_wait3A_53 : memref<128x128xf32, #tpu.memory_space<vmem_shared>>)
      tpu.yield
    }) : () -> ()
    %mul3A_23 = arith.constant 632 : i32
    %mul3A_24 = arith.muli %arg1, %mul3A_23 : i32
    %add3A_25 = arith.constant 512 : i32
    %add3A_26 = arith.addi %mul3A_24, %add3A_25 : i32
    "tpu.region"() ({
      %run_scoped3A = tpu.sem_alloc : memref<!tpu.dma_semaphore, #tpu.memory_space<semaphore_mem>>
      %dma_start3A_47 = arith.constant 0 : i32
      %dma_start3A_48 = arith.constant 0 : i32
      %dma_start3A_49 = tpu.memref_slice %arg10[%dma_start3A_47, %dma_start3A_48] : memref<128x128xf32, #tpu.memory_space<vmem>> -> memref<120x128xf32, #tpu.memory_space<vmem>>
      %dma_start3A_50 = arith.constant 0 : i32
      %dma_start3A_51 = tpu.memref_slice %arg12[%add3A_26, %dma_start3A_50] : memref<10112x128xf32, #tpu.memory_space<vmem_shared>> -> memref<120x128xf32, #tpu.memory_space<vmem_shared>>
      %dma_start3A_52 = arith.constant 0 : i32
      %dma_start3A_53 = tpu.memref_slice %arg12[%add3A_26, %dma_start3A_52] : memref<10112x128xf32, #tpu.memory_space<vmem_shared>> -> memref<120x128xf32, #tpu.memory_space<vmem_shared>>
      %dma_start3A_54 = arith.constant 0 : i32
      %dma_start3A_55 = arith.constant 0 : i32
      %dma_start3A_56 = tpu.memref_slice %arg10[%dma_start3A_54, %dma_start3A_55] : memref<128x128xf32, #tpu.memory_space<vmem>> -> memref<120x128xf32, #tpu.memory_space<vmem>>
      tpu.enqueue_dma source(%dma_start3A_56 : memref<120x128xf32, #tpu.memory_space<vmem>>) target(%dma_start3A_53 : memref<120x128xf32, #tpu.memory_space<vmem_shared>>) target_semaphore(%run_scoped3A : memref<!tpu.dma_semaphore, #tpu.memory_space<semaphore_mem>>)
      %dma_wait3A = arith.constant 0 : i32
      %dma_wait3A_57 = arith.constant 0 : i32
      %dma_wait3A_58 = tpu.memref_slice %arg10[%dma_wait3A, %dma_wait3A_57] : memref<128x128xf32, #tpu.memory_space<vmem>> -> memref<120x128xf32, #tpu.memory_space<vmem>>
      %dma_wait3A_59 = arith.constant 0 : i32
      %dma_wait3A_60 = tpu.memref_slice %arg12[%add3A_26, %dma_wait3A_59] : memref<10112x128xf32, #tpu.memory_space<vmem_shared>> -> memref<120x128xf32, #tpu.memory_space<vmem_shared>>
      %dma_wait3A_61 = arith.constant 0 : i32
      %dma_wait3A_62 = tpu.memref_slice %arg12[%add3A_26, %dma_wait3A_61] : memref<10112x128xf32, #tpu.memory_space<vmem_shared>> -> memref<120x128xf32, #tpu.memory_space<vmem_shared>>
      %dma_wait3A_63 = arith.constant 0 : i32
      %dma_wait3A_64 = arith.constant 0 : i32
      %dma_wait3A_65 = tpu.memref_slice %arg10[%dma_wait3A_63, %dma_wait3A_64] : memref<128x128xf32, #tpu.memory_space<vmem>> -> memref<120x128xf32, #tpu.memory_space<vmem>>
      tpu.wait_dma2 semaphore(%run_scoped3A : memref<!tpu.dma_semaphore, #tpu.memory_space<semaphore_mem>>) src(%dma_wait3A_65 : memref<120x128xf32, #tpu.memory_space<vmem>>) dst(%dma_wait3A_62 : memref<120x128xf32, #tpu.memory_space<vmem_shared>>)
      tpu.yield
    }) : () -> ()
    %barrier3A = arith.constant 0 : index
    tpu.barrier barrier_id(%barrier3A)
    %add3A_27 = arith.constant 0 : i32
    %add3A_28 = arith.addi %add3A_27, %add3A : i32
    %mul3A_29 = arith.constant 128 : i32
    %mul3A_30 = arith.muli %add3A_28, %mul3A_29 : i32
    "tpu.region"() ({
      %run_scoped3A = tpu.sem_alloc : memref<!tpu.dma_semaphore, #tpu.memory_space<semaphore_mem>>
      %dma_start3A_47 = tpu.memref_slice %arg3[%mul3A_30] : memref<327680xi32, #tpu.memory_space<hbm>> -> memref<128xi32, #tpu.memory_space<hbm>>
      %dma_start3A_48 = tpu.memref_slice %arg3[%mul3A_30] : memref<327680xi32, #tpu.memory_space<hbm>> -> memref<128xi32, #tpu.memory_space<hbm>>
      tpu.enqueue_dma source(%dma_start3A_48 : memref<128xi32, #tpu.memory_space<hbm>>) target(%arg6 : memref<128xi32, #tpu.memory_space<vmem>>) target_semaphore(%run_scoped3A : memref<!tpu.dma_semaphore, #tpu.memory_space<semaphore_mem>>)
      %dma_wait3A = tpu.memref_slice %arg3[%mul3A_30] : memref<327680xi32, #tpu.memory_space<hbm>> -> memref<128xi32, #tpu.memory_space<hbm>>
      %dma_wait3A_49 = tpu.memref_slice %arg3[%mul3A_30] : memref<327680xi32, #tpu.memory_space<hbm>> -> memref<128xi32, #tpu.memory_space<hbm>>
      tpu.wait_dma2 semaphore(%run_scoped3A : memref<!tpu.dma_semaphore, #tpu.memory_space<semaphore_mem>>) src(%dma_wait3A_49 : memref<128xi32, #tpu.memory_space<hbm>>) dst(%arg6 : memref<128xi32, #tpu.memory_space<vmem>>)
      tpu.yield
    }) : () -> ()
    "tpu.region"() ({
      %run_scoped3A = tpu.sem_alloc : memref<!tpu.dma_semaphore, #tpu.memory_space<semaphore_mem>>
      %dma_start3A_47 = tpu.memref_slice %arg4[%mul3A_30] : memref<327680xi32, #tpu.memory_space<hbm>> -> memref<128xi32, #tpu.memory_space<hbm>>
      %dma_start3A_48 = tpu.memref_slice %arg4[%mul3A_30] : memref<327680xi32, #tpu.memory_space<hbm>> -> memref<128xi32, #tpu.memory_space<hbm>>
      tpu.enqueue_dma source(%dma_start3A_48 : memref<128xi32, #tpu.memory_space<hbm>>) target(%arg8 : memref<128xi32, #tpu.memory_space<vmem>>) target_semaphore(%run_scoped3A : memref<!tpu.dma_semaphore, #tpu.memory_space<semaphore_mem>>)
      %dma_wait3A = tpu.memref_slice %arg4[%mul3A_30] : memref<327680xi32, #tpu.memory_space<hbm>> -> memref<128xi32, #tpu.memory_space<hbm>>
      %dma_wait3A_49 = tpu.memref_slice %arg4[%mul3A_30] : memref<327680xi32, #tpu.memory_space<hbm>> -> memref<128xi32, #tpu.memory_space<hbm>>
      tpu.wait_dma2 semaphore(%run_scoped3A : memref<!tpu.dma_semaphore, #tpu.memory_space<semaphore_mem>>) src(%dma_wait3A_49 : memref<128xi32, #tpu.memory_space<hbm>>) dst(%arg8 : memref<128xi32, #tpu.memory_space<vmem>>)
      tpu.yield
    }) : () -> ()
    %dma_start3A = arith.constant 0 : i32
    %dma_start3A_31 = arith.constant 0 : i32
    %dma_start3A_32 = tpu.memref_slice %arg2[%dma_start3A, %dma_start3A_31] : memref<10000x128xf32, #tpu.memory_space<hbm>> -> memref<10000x128xf32, #tpu.memory_space<hbm>>
    tpu.enqueue_indirect_dma source(%dma_start3A_32 : memref<10000x128xf32, #tpu.memory_space<hbm>>) target(%arg10 : memref<128x128xf32, #tpu.memory_space<vmem>>) offsets(%arg6 : memref<128xi32, #tpu.memory_space<vmem>>) semaphore(%arg13 : memref<!tpu.dma_semaphore, #tpu.memory_space<semaphore_mem>>)
    %scan3A_33 = arith.constant 0 : i32
    %scan3A_34 = arith.constant 0 : i32
    %scan3A_35 = arith.constant 40 : i32
    %scan3A_36 = arith.addi %scan3A_34, %scan3A_35 : i32
    %scan3A_37 = arith.constant 1 : i32
    scf.for %scan3A_47 = %scan3A_34 to %scan3A_36 step %scan3A_37  : i32 {
      %mul3A_48 = arith.constant 2 : i32
      %mul3A_49 = arith.muli %mul3A_48, %scan3A_47 : i32
      %add3A_50 = arith.constant 1 : i32
      %add3A_51 = arith.addi %mul3A_49, %add3A_50 : i32
      %mul3A_52 = arith.constant 32 : i32
      %mul3A_53 = arith.muli %add3A_51, %mul3A_52 : i32
      %add3A_54 = arith.addi %mul3A_53, %add3A : i32
      %mul3A_55 = arith.constant 128 : i32
      %mul3A_56 = arith.muli %add3A_54, %mul3A_55 : i32
      "tpu.region"() ({
        %run_scoped3A = tpu.sem_alloc : memref<!tpu.dma_semaphore, #tpu.memory_space<semaphore_mem>>
        %dma_start3A_67 = tpu.memref_slice %arg3[%mul3A_56] : memref<327680xi32, #tpu.memory_space<hbm>> -> memref<128xi32, #tpu.memory_space<hbm>>
        %dma_start3A_68 = tpu.memref_slice %arg3[%mul3A_56] : memref<327680xi32, #tpu.memory_space<hbm>> -> memref<128xi32, #tpu.memory_space<hbm>>
        tpu.enqueue_dma source(%dma_start3A_68 : memref<128xi32, #tpu.memory_space<hbm>>) target(%arg7 : memref<128xi32, #tpu.memory_space<vmem>>) target_semaphore(%run_scoped3A : memref<!tpu.dma_semaphore, #tpu.memory_space<semaphore_mem>>)
        %dma_wait3A_69 = tpu.memref_slice %arg3[%mul3A_56] : memref<327680xi32, #tpu.memory_space<hbm>> -> memref<128xi32, #tpu.memory_space<hbm>>
        %dma_wait3A_70 = tpu.memref_slice %arg3[%mul3A_56] : memref<327680xi32, #tpu.memory_space<hbm>> -> memref<128xi32, #tpu.memory_space<hbm>>
        tpu.wait_dma2 semaphore(%run_scoped3A : memref<!tpu.dma_semaphore, #tpu.memory_space<semaphore_mem>>) src(%dma_wait3A_70 : memref<128xi32, #tpu.memory_space<hbm>>) dst(%arg7 : memref<128xi32, #tpu.memory_space<vmem>>)
        tpu.yield
      }) : () -> ()
      "tpu.region"() ({
        %run_scoped3A = tpu.sem_alloc : memref<!tpu.dma_semaphore, #tpu.memory_space<semaphore_mem>>
        %dma_start3A_67 = tpu.memref_slice %arg4[%mul3A_56] : memref<327680xi32, #tpu.memory_space<hbm>> -> memref<128xi32, #tpu.memory_space<hbm>>
        %dma_start3A_68 = tpu.memref_slice %arg4[%mul3A_56] : memref<327680xi32, #tpu.memory_space<hbm>> -> memref<128xi32, #tpu.memory_space<hbm>>
        tpu.enqueue_dma source(%dma_start3A_68 : memref<128xi32, #tpu.memory_space<hbm>>) target(%arg9 : memref<128xi32, #tpu.memory_space<vmem>>) target_semaphore(%run_scoped3A : memref<!tpu.dma_semaphore, #tpu.memory_space<semaphore_mem>>)
        %dma_wait3A_69 = tpu.memref_slice %arg4[%mul3A_56] : memref<327680xi32, #tpu.memory_space<hbm>> -> memref<128xi32, #tpu.memory_space<hbm>>
        %dma_wait3A_70 = tpu.memref_slice %arg4[%mul3A_56] : memref<327680xi32, #tpu.memory_space<hbm>> -> memref<128xi32, #tpu.memory_space<hbm>>
        tpu.wait_dma2 semaphore(%run_scoped3A : memref<!tpu.dma_semaphore, #tpu.memory_space<semaphore_mem>>) src(%dma_wait3A_70 : memref<128xi32, #tpu.memory_space<hbm>>) dst(%arg9 : memref<128xi32, #tpu.memory_space<vmem>>)
        tpu.yield
      }) : () -> ()
      %dma_start3A_57 = arith.constant 0 : i32
      %dma_start3A_58 = arith.constant 0 : i32
      %dma_start3A_59 = tpu.memref_slice %arg2[%dma_start3A_57, %dma_start3A_58] : memref<10000x128xf32, #tpu.memory_space<hbm>> -> memref<10000x128xf32, #tpu.memory_space<hbm>>
      tpu.enqueue_indirect_dma source(%dma_start3A_59 : memref<10000x128xf32, #tpu.memory_space<hbm>>) target(%arg11 : memref<128x128xf32, #tpu.memory_space<vmem>>) offsets(%arg7 : memref<128xi32, #tpu.memory_space<vmem>>) semaphore(%arg14 : memref<!tpu.dma_semaphore, #tpu.memory_space<semaphore_mem>>)
      %dma_wait3A = arith.constant 0 : i32
      %dma_wait3A_60 = arith.constant 0 : i32
      %dma_wait3A_61 = tpu.memref_slice %arg2[%dma_wait3A, %dma_wait3A_60] : memref<10000x128xf32, #tpu.memory_space<hbm>> -> memref<10000x128xf32, #tpu.memory_space<hbm>>
      tpu.wait_indirect_dma semaphore(%arg13 : memref<!tpu.dma_semaphore, #tpu.memory_space<semaphore_mem>>) src(%dma_wait3A_61 : memref<10000x128xf32, #tpu.memory_space<hbm>>) dst(%arg10 : memref<128x128xf32, #tpu.memory_space<vmem>>)
      "tpu.region"() ({
        %run_scoped3A = tpu.sem_alloc : memref<!tpu.dma_semaphore, #tpu.memory_space<semaphore_mem>>
        %dma_start3A_67 = arith.constant 0 : i32
        %dma_start3A_68 = arith.constant 0 : i32
        %dma_start3A_69 = tpu.memref_slice %arg12[%dma_start3A_67, %dma_start3A_68] : memref<10112x128xf32, #tpu.memory_space<vmem_shared>> -> memref<10112x128xf32, #tpu.memory_space<vmem_shared>>
        tpu.enqueue_indirect_dma source(%arg10 : memref<128x128xf32, #tpu.memory_space<vmem>>) target(%dma_start3A_69 : memref<10112x128xf32, #tpu.memory_space<vmem_shared>>) offsets(%arg8 : memref<128xi32, #tpu.memory_space<vmem>>) semaphore(%run_scoped3A : memref<!tpu.dma_semaphore, #tpu.memory_space<semaphore_mem>>) {add = true}
        %dma_wait3A_70 = arith.constant 0 : i32
        %dma_wait3A_71 = arith.constant 0 : i32
        %dma_wait3A_72 = tpu.memref_slice %arg12[%dma_wait3A_70, %dma_wait3A_71] : memref<10112x128xf32, #tpu.memory_space<vmem_shared>> -> memref<10112x128xf32, #tpu.memory_space<vmem_shared>>
        tpu.wait_indirect_dma semaphore(%run_scoped3A : memref<!tpu.dma_semaphore, #tpu.memory_space<semaphore_mem>>) src(%arg10 : memref<128x128xf32, #tpu.memory_space<vmem>>) dst(%dma_wait3A_72 : memref<10112x128xf32, #tpu.memory_space<vmem_shared>>)
        tpu.yield
      }) : () -> ()
      %lt3A = arith.constant 39 : i32
      %lt3A_62 = arith.cmpi slt, %scan3A_47, %lt3A : i32
      %convert_element_type3A = arith.extui %lt3A_62 : i1 to i32
      %cond3A = arith.constant 0 : i32
      %cond3A_63 = arith.cmpi ne, %convert_element_type3A, %cond3A : i32
      scf.if %cond3A_63 {
        %mul3A_67 = arith.constant 2 : i32
        %mul3A_68 = arith.muli %mul3A_67, %scan3A_47 : i32
        %add3A_69 = arith.constant 2 : i32
        %add3A_70 = arith.addi %mul3A_68, %add3A_69 : i32
        %mul3A_71 = arith.constant 32 : i32
        %mul3A_72 = arith.muli %add3A_70, %mul3A_71 : i32
        %add3A_73 = arith.addi %mul3A_72, %add3A : i32
        %mul3A_74 = arith.constant 128 : i32
        %mul3A_75 = arith.muli %add3A_73, %mul3A_74 : i32
        "tpu.region"() ({
          %run_scoped3A = tpu.sem_alloc : memref<!tpu.dma_semaphore, #tpu.memory_space<semaphore_mem>>
          %dma_start3A_79 = tpu.memref_slice %arg3[%mul3A_75] : memref<327680xi32, #tpu.memory_space<hbm>> -> memref<128xi32, #tpu.memory_space<hbm>>
          %dma_start3A_80 = tpu.memref_slice %arg3[%mul3A_75] : memref<327680xi32, #tpu.memory_space<hbm>> -> memref<128xi32, #tpu.memory_space<hbm>>
          tpu.enqueue_dma source(%dma_start3A_80 : memref<128xi32, #tpu.memory_space<hbm>>) target(%arg6 : memref<128xi32, #tpu.memory_space<vmem>>) target_semaphore(%run_scoped3A : memref<!tpu.dma_semaphore, #tpu.memory_space<semaphore_mem>>)
          %dma_wait3A_81 = tpu.memref_slice %arg3[%mul3A_75] : memref<327680xi32, #tpu.memory_space<hbm>> -> memref<128xi32, #tpu.memory_space<hbm>>
          %dma_wait3A_82 = tpu.memref_slice %arg3[%mul3A_75] : memref<327680xi32, #tpu.memory_space<hbm>> -> memref<128xi32, #tpu.memory_space<hbm>>
          tpu.wait_dma2 semaphore(%run_scoped3A : memref<!tpu.dma_semaphore, #tpu.memory_space<semaphore_mem>>) src(%dma_wait3A_82 : memref<128xi32, #tpu.memory_space<hbm>>) dst(%arg6 : memref<128xi32, #tpu.memory_space<vmem>>)
          tpu.yield
        }) : () -> ()
        "tpu.region"() ({
          %run_scoped3A = tpu.sem_alloc : memref<!tpu.dma_semaphore, #tpu.memory_space<semaphore_mem>>
          %dma_start3A_79 = tpu.memref_slice %arg4[%mul3A_75] : memref<327680xi32, #tpu.memory_space<hbm>> -> memref<128xi32, #tpu.memory_space<hbm>>
          %dma_start3A_80 = tpu.memref_slice %arg4[%mul3A_75] : memref<327680xi32, #tpu.memory_space<hbm>> -> memref<128xi32, #tpu.memory_space<hbm>>
          tpu.enqueue_dma source(%dma_start3A_80 : memref<128xi32, #tpu.memory_space<hbm>>) target(%arg8 : memref<128xi32, #tpu.memory_space<vmem>>) target_semaphore(%run_scoped3A : memref<!tpu.dma_semaphore, #tpu.memory_space<semaphore_mem>>)
          %dma_wait3A_81 = tpu.memref_slice %arg4[%mul3A_75] : memref<327680xi32, #tpu.memory_space<hbm>> -> memref<128xi32, #tpu.memory_space<hbm>>
          %dma_wait3A_82 = tpu.memref_slice %arg4[%mul3A_75] : memref<327680xi32, #tpu.memory_space<hbm>> -> memref<128xi32, #tpu.memory_space<hbm>>
          tpu.wait_dma2 semaphore(%run_scoped3A : memref<!tpu.dma_semaphore, #tpu.memory_space<semaphore_mem>>) src(%dma_wait3A_82 : memref<128xi32, #tpu.memory_space<hbm>>) dst(%arg8 : memref<128xi32, #tpu.memory_space<vmem>>)
          tpu.yield
        }) : () -> ()
        %dma_start3A_76 = arith.constant 0 : i32
        %dma_start3A_77 = arith.constant 0 : i32
        %dma_start3A_78 = tpu.memref_slice %arg2[%dma_start3A_76, %dma_start3A_77] : memref<10000x128xf32, #tpu.memory_space<hbm>> -> memref<10000x128xf32, #tpu.memory_space<hbm>>
        tpu.enqueue_indirect_dma source(%dma_start3A_78 : memref<10000x128xf32, #tpu.memory_space<hbm>>) target(%arg10 : memref<128x128xf32, #tpu.memory_space<vmem>>) offsets(%arg6 : memref<128xi32, #tpu.memory_space<vmem>>) semaphore(%arg13 : memref<!tpu.dma_semaphore, #tpu.memory_space<semaphore_mem>>)
      } else {
      }
      %dma_wait3A_64 = arith.constant 0 : i32
      %dma_wait3A_65 = arith.constant 0 : i32
      %dma_wait3A_66 = tpu.memref_slice %arg2[%dma_wait3A_64, %dma_wait3A_65] : memref<10000x128xf32, #tpu.memory_space<hbm>> -> memref<10000x128xf32, #tpu.memory_space<hbm>>
      tpu.wait_indirect_dma semaphore(%arg14 : memref<!tpu.dma_semaphore, #tpu.memory_space<semaphore_mem>>) src(%dma_wait3A_66 : memref<10000x128xf32, #tpu.memory_space<hbm>>) dst(%arg11 : memref<128x128xf32, #tpu.memory_space<vmem>>)
      "tpu.region"() ({
        %run_scoped3A = tpu.sem_alloc : memref<!tpu.dma_semaphore, #tpu.memory_space<semaphore_mem>>
        %dma_start3A_67 = arith.constant 0 : i32
        %dma_start3A_68 = arith.constant 0 : i32
        %dma_start3A_69 = tpu.memref_slice %arg12[%dma_start3A_67, %dma_start3A_68] : memref<10112x128xf32, #tpu.memory_space<vmem_shared>> -> memref<10112x128xf32, #tpu.memory_space<vmem_shared>>
        tpu.enqueue_indirect_dma source(%arg11 : memref<128x128xf32, #tpu.memory_space<vmem>>) target(%dma_start3A_69 : memref<10112x128xf32, #tpu.memory_space<vmem_shared>>) offsets(%arg9 : memref<128xi32, #tpu.memory_space<vmem>>) semaphore(%run_scoped3A : memref<!tpu.dma_semaphore, #tpu.memory_space<semaphore_mem>>) {add = true}
        %dma_wait3A_70 = arith.constant 0 : i32
        %dma_wait3A_71 = arith.constant 0 : i32
        %dma_wait3A_72 = tpu.memref_slice %arg12[%dma_wait3A_70, %dma_wait3A_71] : memref<10112x128xf32, #tpu.memory_space<vmem_shared>> -> memref<10112x128xf32, #tpu.memory_space<vmem_shared>>
        tpu.wait_indirect_dma semaphore(%run_scoped3A : memref<!tpu.dma_semaphore, #tpu.memory_space<semaphore_mem>>) src(%arg11 : memref<128x128xf32, #tpu.memory_space<vmem>>) dst(%dma_wait3A_72 : memref<10112x128xf32, #tpu.memory_space<vmem_shared>>)
        tpu.yield
      }) : () -> ()
    }
    %scan3A_38 = arith.constant 40 : i32
    %barrier3A_39 = arith.constant 0 : index
    tpu.barrier barrier_id(%barrier3A_39)
    %mul3A_40 = arith.constant 632 : i32
    %mul3A_41 = arith.muli %arg1, %mul3A_40 : i32
    %mul3A_42 = arith.constant 10112 : i32
    %mul3A_43 = arith.muli %arg0, %mul3A_42 : i32
    %mul3A_44 = arith.constant 632 : i32
    %mul3A_45 = arith.muli %arg1, %mul3A_44 : i32
    %add3A_46 = arith.addi %mul3A_43, %mul3A_45 : i32
    "tpu.region"() ({
      %run_scoped3A = tpu.sem_alloc : memref<!tpu.dma_semaphore, #tpu.memory_space<semaphore_mem>>
      %dma_start3A_47 = arith.constant 0 : i32
      %dma_start3A_48 = tpu.memref_slice %arg5[%add3A_46, %dma_start3A_47] : memref<20224x128xf32, #tpu.memory_space<hbm>> -> memref<632x128xf32, #tpu.memory_space<hbm>>
      %dma_start3A_49 = arith.constant 0 : i32
      %dma_start3A_50 = tpu.memref_slice %arg12[%mul3A_41, %dma_start3A_49] : memref<10112x128xf32, #tpu.memory_space<vmem_shared>> -> memref<632x128xf32, #tpu.memory_space<vmem_shared>>
      tpu.enqueue_dma source(%dma_start3A_50 : memref<632x128xf32, #tpu.memory_space<vmem_shared>>) target(%dma_start3A_48 : memref<632x128xf32, #tpu.memory_space<hbm>>) target_semaphore(%run_scoped3A : memref<!tpu.dma_semaphore, #tpu.memory_space<semaphore_mem>>)
      %dma_wait3A = arith.constant 0 : i32
      %dma_wait3A_51 = tpu.memref_slice %arg5[%add3A_46, %dma_wait3A] : memref<20224x128xf32, #tpu.memory_space<hbm>> -> memref<632x128xf32, #tpu.memory_space<hbm>>
      %dma_wait3A_52 = arith.constant 0 : i32
      %dma_wait3A_53 = tpu.memref_slice %arg12[%mul3A_41, %dma_wait3A_52] : memref<10112x128xf32, #tpu.memory_space<vmem_shared>> -> memref<632x128xf32, #tpu.memory_space<vmem_shared>>
      tpu.wait_dma2 semaphore(%run_scoped3A : memref<!tpu.dma_semaphore, #tpu.memory_space<semaphore_mem>>) src(%dma_wait3A_53 : memref<632x128xf32, #tpu.memory_space<vmem_shared>>) dst(%dma_wait3A_51 : memref<632x128xf32, #tpu.memory_space<hbm>>)
      tpu.yield
    }) : () -> ()
    return
  }
}

module attributes {stable_mosaic.version = 14 : i64} {
  func.func @_combine_mm_body(%arg0: memref<10000x128xf32, #tpu.memory_space<vmem>>, %arg1: memref<20224x128xf32, #tpu.memory_space<vmem>>, %arg2: memref<1x128xf32, #tpu.memory_space<vmem>>, %arg3: memref<1x1xf32, #tpu.memory_space<vmem>>, %arg4: memref<128x128xf32, #tpu.memory_space<vmem>>, %arg5: memref<10000x128xf32, #tpu.memory_space<vmem>>) attributes {dimension_semantics = [], scalar_prefetch = 0 : i64, scratch_operands = 0 : i64, tpu.core_type = #tpu.core_type<tc>} {
    %get3A = arith.constant 0 : index
    %get3A_0 = arith.constant 0 : index
    %get3A_1 = vector.load %arg3[%get3A, %get3A_0] : memref<1x1xf32, #tpu.memory_space<vmem>>, vector<1x1xf32>
    %get3A_2 = arith.constant 0 : index
    %get3A_3 = arith.constant 0 : index
    %get3A_4 = vector.load %arg0[%get3A_2, %get3A_3] : memref<10000x128xf32, #tpu.memory_space<vmem>>, vector<10000x128xf32>
    %mul3A = vector.broadcast %get3A_1 : vector<1x1xf32> to vector<10000x128xf32>
    %mul3A_5 = arith.mulf %mul3A, %get3A_4 : vector<10000x128xf32>
    %get3A_6 = arith.constant 0 : index
    %get3A_7 = arith.constant 0 : index
    %get3A_8 = vector.load %arg1[%get3A_6, %get3A_7] : memref<20224x128xf32, #tpu.memory_space<vmem>>, vector<10000x128xf32>
    %get3A_9 = arith.constant 10112 : index
    %get3A_10 = arith.constant 0 : index
    %get3A_11 = vector.load %arg1[%get3A_9, %get3A_10] : memref<20224x128xf32, #tpu.memory_space<vmem>>, vector<10000x128xf32>
    %add3A = arith.addf %get3A_8, %get3A_11 : vector<10000x128xf32>
    %add3A_12 = arith.addf %mul3A_5, %add3A : vector<10000x128xf32>
    %get3A_13 = arith.constant 0 : index
    %get3A_14 = arith.constant 0 : index
    %get3A_15 = vector.load %arg2[%get3A_13, %get3A_14] : memref<1x128xf32, #tpu.memory_space<vmem>>, vector<1x128xf32>
    %add3A_16 = vector.broadcast %get3A_15 : vector<1x128xf32> to vector<10000x128xf32>
    %add3A_17 = arith.addf %add3A_12, %add3A_16 : vector<10000x128xf32>
    %max3A = arith.constant 0.000000e+00 : f32
    %max3A_18 = vector.broadcast %max3A : f32 to vector<10000x128xf32>
    %max3A_19 = arith.maximumf %add3A_17, %max3A_18 : vector<10000x128xf32>
    %get3A_20 = arith.constant 0 : index
    %get3A_21 = arith.constant 0 : index
    %get3A_22 = vector.load %arg4[%get3A_20, %get3A_21] : memref<128x128xf32, #tpu.memory_space<vmem>>, vector<128x128xf32>
    %dot_general3A = arith.constant dense<0.000000e+00> : vector<10000x128xf32>
    %dot_general3A_23 = tpu.matmul %max3A_19, %get3A_22, %dot_general3A {dimension_numbers = #tpu.dot_dimension_numbers<[1], [0], [0], [1], [0, 0, 1, 1], [], []>, transpose_lhs_hint = false} : vector<10000x128xf32>, vector<128x128xf32>, vector<10000x128xf32> -> vector<10000x128xf32>
    %swap3A = arith.constant 0 : index
    %swap3A_24 = arith.constant 0 : index
    %swap3A_25 = vector.load %arg5[%swap3A, %swap3A_24] : memref<10000x128xf32, #tpu.memory_space<vmem>>, vector<10000x128xf32>
    tpu.vector_store %arg5[%swap3A, %swap3A_24], %dot_general3A_23 {strides = array<i32>} : memref<10000x128xf32, #tpu.memory_space<vmem>>, vector<10000x128xf32>,
    return
  }
}

module attributes {stable_mosaic.version = 14 : i64} {
  func.func @_mm_body(%arg0: memref<10000x128xf32, #tpu.memory_space<vmem>>, %arg1: memref<128x128xf32, #tpu.memory_space<vmem>>, %arg2: memref<10000x128xf32, #tpu.memory_space<vmem>>) attributes {dimension_semantics = [], scalar_prefetch = 0 : i64, scratch_operands = 0 : i64, tpu.core_type = #tpu.core_type<tc>} {
    %get3A = arith.constant 0 : index
    %get3A_0 = arith.constant 0 : index
    %get3A_1 = vector.load %arg0[%get3A, %get3A_0] : memref<10000x128xf32, #tpu.memory_space<vmem>>, vector<10000x128xf32>
    %get3A_2 = arith.constant 0 : index
    %get3A_3 = arith.constant 0 : index
    %get3A_4 = vector.load %arg1[%get3A_2, %get3A_3] : memref<128x128xf32, #tpu.memory_space<vmem>>, vector<128x128xf32>
    %dot_general3A = arith.constant dense<0.000000e+00> : vector<10000x128xf32>
    %dot_general3A_5 = tpu.matmul %get3A_1, %get3A_4, %dot_general3A {dimension_numbers = #tpu.dot_dimension_numbers<[1], [0], [0], [1], [0, 0, 1, 1], [], []>, transpose_lhs_hint = false} : vector<10000x128xf32>, vector<128x128xf32>, vector<10000x128xf32> -> vector<10000x128xf32>
    %swap3A = arith.constant 0 : index
    %swap3A_6 = arith.constant 0 : index
    %swap3A_7 = vector.load %arg2[%swap3A, %swap3A_6] : memref<10000x128xf32, #tpu.memory_space<vmem>>, vector<10000x128xf32>
    tpu.vector_store %arg2[%swap3A, %swap3A_6], %dot_general3A_5 {strides = array<i32>} : memref<10000x128xf32, #tpu.memory_space<vmem>>, vector<10000x128xf32>,
    return
  }
}

module attributes {stable_mosaic.version = 14 : i64} {
  func.func @_combine_body(%arg0: memref<10000x128xf32, #tpu.memory_space<vmem>>, %arg1: memref<20224x128xf32, #tpu.memory_space<vmem>>, %arg2: memref<1x128xf32, #tpu.memory_space<vmem>>, %arg3: memref<1x1xf32, #tpu.memory_space<vmem>>, %arg4: memref<10000x128xf32, #tpu.memory_space<vmem>>) attributes {dimension_semantics = [], scalar_prefetch = 0 : i64, scratch_operands = 0 : i64, tpu.core_type = #tpu.core_type<tc>} {
    %get3A = arith.constant 0 : index
    %get3A_0 = arith.constant 0 : index
    %get3A_1 = vector.load %arg3[%get3A, %get3A_0] : memref<1x1xf32, #tpu.memory_space<vmem>>, vector<1x1xf32>
    %get3A_2 = arith.constant 0 : index
    %get3A_3 = arith.constant 0 : index
    %get3A_4 = vector.load %arg0[%get3A_2, %get3A_3] : memref<10000x128xf32, #tpu.memory_space<vmem>>, vector<10000x128xf32>
    %mul3A = vector.broadcast %get3A_1 : vector<1x1xf32> to vector<10000x128xf32>
    %mul3A_5 = arith.mulf %mul3A, %get3A_4 : vector<10000x128xf32>
    %get3A_6 = arith.constant 0 : index
    %get3A_7 = arith.constant 0 : index
    %get3A_8 = vector.load %arg1[%get3A_6, %get3A_7] : memref<20224x128xf32, #tpu.memory_space<vmem>>, vector<10000x128xf32>
    %get3A_9 = arith.constant 10112 : index
    %get3A_10 = arith.constant 0 : index
    %get3A_11 = vector.load %arg1[%get3A_9, %get3A_10] : memref<20224x128xf32, #tpu.memory_space<vmem>>, vector<10000x128xf32>
    %add3A = arith.addf %get3A_8, %get3A_11 : vector<10000x128xf32>
    %add3A_12 = arith.addf %mul3A_5, %add3A : vector<10000x128xf32>
    %get3A_13 = arith.constant 0 : index
    %get3A_14 = arith.constant 0 : index
    %get3A_15 = vector.load %arg2[%get3A_13, %get3A_14] : memref<1x128xf32, #tpu.memory_space<vmem>>, vector<1x128xf32>
    %add3A_16 = vector.broadcast %get3A_15 : vector<1x128xf32> to vector<10000x128xf32>
    %add3A_17 = arith.addf %add3A_12, %add3A_16 : vector<10000x128xf32>
    %max3A = arith.constant 0.000000e+00 : f32
    %max3A_18 = vector.broadcast %max3A : f32 to vector<10000x128xf32>
    %max3A_19 = arith.maximumf %add3A_17, %max3A_18 : vector<10000x128xf32>
    %swap3A = arith.constant 0 : index
    %swap3A_20 = arith.constant 0 : index
    %swap3A_21 = vector.load %arg4[%swap3A, %swap3A_20] : memref<10000x128xf32, #tpu.memory_space<vmem>>, vector<10000x128xf32>
    tpu.vector_store %arg4[%swap3A, %swap3A_20], %max3A_19 {strides = array<i32>} : memref<10000x128xf32, #tpu.memory_space<vmem>>, vector<10000x128xf32>,
    return
  }
}

module attributes {stable_mosaic.version = 14 : i64} {
  func.func @_final_body(%arg0: memref<10000x128xf32, #tpu.memory_space<vmem>>, %arg1: memref<20224x128xf32, #tpu.memory_space<vmem>>, %arg2: memref<1x64xf32, #tpu.memory_space<vmem>>, %arg3: memref<1x1xf32, #tpu.memory_space<vmem>>, %arg4: memref<128x64xf32, #tpu.memory_space<vmem>>, %arg5: memref<10000x64xf32, #tpu.memory_space<vmem>>, %arg6: memref<10000x64xf32, #tpu.memory_space<vmem>>) attributes {dimension_semantics = [], scalar_prefetch = 0 : i64, scratch_operands = 0 : i64, tpu.core_type = #tpu.core_type<tc>} {
    %get3A = arith.constant 0 : index
    %get3A_0 = arith.constant 0 : index
    %get3A_1 = vector.load %arg3[%get3A, %get3A_0] : memref<1x1xf32, #tpu.memory_space<vmem>>, vector<1x1xf32>
    %get3A_2 = arith.constant 0 : index
    %get3A_3 = arith.constant 0 : index
    %get3A_4 = vector.load %arg0[%get3A_2, %get3A_3] : memref<10000x128xf32, #tpu.memory_space<vmem>>, vector<10000x128xf32>
    %mul3A = vector.broadcast %get3A_1 : vector<1x1xf32> to vector<10000x128xf32>
    %mul3A_5 = arith.mulf %mul3A, %get3A_4 : vector<10000x128xf32>
    %get3A_6 = arith.constant 0 : index
    %get3A_7 = arith.constant 0 : index
    %get3A_8 = vector.load %arg1[%get3A_6, %get3A_7] : memref<20224x128xf32, #tpu.memory_space<vmem>>, vector<10000x128xf32>
    %get3A_9 = arith.constant 10112 : index
    %get3A_10 = arith.constant 0 : index
    %get3A_11 = vector.load %arg1[%get3A_9, %get3A_10] : memref<20224x128xf32, #tpu.memory_space<vmem>>, vector<10000x128xf32>
    %add3A = arith.addf %get3A_8, %get3A_11 : vector<10000x128xf32>
    %add3A_12 = arith.addf %mul3A_5, %add3A : vector<10000x128xf32>
    %get3A_13 = arith.constant 0 : index
    %get3A_14 = arith.constant 0 : index
    %get3A_15 = vector.load %arg4[%get3A_13, %get3A_14] : memref<128x64xf32, #tpu.memory_space<vmem>>, vector<128x64xf32>
    %dot_general3A = arith.constant dense<0.000000e+00> : vector<10000x64xf32>
    %dot_general3A_16 = tpu.matmul %add3A_12, %get3A_15, %dot_general3A {dimension_numbers = #tpu.dot_dimension_numbers<[1], [0], [0], [1], [0, 0, 1, 1], [], []>, transpose_lhs_hint = false} : vector<10000x128xf32>, vector<128x64xf32>, vector<10000x64xf32> -> vector<10000x64xf32>
    %get3A_17 = arith.constant 0 : index
    %get3A_18 = arith.constant 0 : index
    %get3A_19 = vector.load %arg2[%get3A_17, %get3A_18] : memref<1x64xf32, #tpu.memory_space<vmem>>, vector<1x64xf32>
    %add3A_20 = vector.broadcast %get3A_19 : vector<1x64xf32> to vector<10000x64xf32>
    %add3A_21 = arith.addf %dot_general3A_16, %add3A_20 : vector<10000x64xf32>
    %max3A = arith.constant 0.000000e+00 : f32
    %max3A_22 = vector.broadcast %max3A : f32 to vector<10000x64xf32>
    %max3A_23 = arith.maximumf %add3A_21, %max3A_22 : vector<10000x64xf32>
    %swap3A = arith.constant 0 : index
    %swap3A_24 = arith.constant 0 : index
    %swap3A_25 = vector.load %arg5[%swap3A, %swap3A_24] : memref<10000x64xf32, #tpu.memory_space<vmem>>, vector<10000x64xf32>
    tpu.vector_store %arg5[%swap3A, %swap3A_24], %max3A_23 {strides = array<i32>} : memref<10000x64xf32, #tpu.memory_space<vmem>>, vector<10000x64xf32>,
    %reduce_max3A = arith.constant dense<0xFF800000> : vector<10000xf32>
    %reduce_max3A_26 = vector.multi_reduction <maximumf>, %max3A_23, %reduce_max3A [1] : vector<10000x64xf32> to vector<10000xf32>
    %broadcast_in_dim3A = vector.shape_cast %reduce_max3A_26 : vector<10000xf32> to vector<10000x1xf32>
    %sub3A = vector.broadcast %broadcast_in_dim3A : vector<10000x1xf32> to vector<10000x64xf32>
    %sub3A_27 = arith.subf %max3A_23, %sub3A : vector<10000x64xf32>
    %exp3A = math.exp %sub3A_27 : vector<10000x64xf32>
    %reduce_sum3A = arith.constant dense<0.000000e+00> : vector<10000xf32>
    %reduce_sum3A_28 = vector.multi_reduction <add>, %exp3A, %reduce_sum3A [1] : vector<10000x64xf32> to vector<10000xf32>
    %broadcast_in_dim3A_29 = vector.shape_cast %reduce_sum3A_28 : vector<10000xf32> to vector<10000x1xf32>
    %div3A = vector.broadcast %broadcast_in_dim3A_29 : vector<10000x1xf32> to vector<10000x64xf32>
    %div3A_30 = arith.divf %exp3A, %div3A : vector<10000x64xf32>
    %swap3A_31 = arith.constant 0 : index
    %swap3A_32 = arith.constant 0 : index
    %swap3A_33 = vector.load %arg6[%swap3A_31, %swap3A_32] : memref<10000x64xf32, #tpu.memory_space<vmem>>, vector<10000x64xf32>
    tpu.vector_store %arg6[%swap3A_31, %swap3A_32], %div3A_30 {strides = array<i32>} : memref<10000x64xf32, #tpu.memory_space<vmem>>, vector<10000x64xf32>,
    return
  }
}

</mosaic_0001>

<sc_bundles>
// kernel: kernel.12.cloned.1.call-start
scs
__scs_entry_jumppad:
0x0: {  	(pc) =	sbr.rel $0x88, $3  }
0x1: {  	(tag) =	ssettag $0x0;
	lr =	simm.s32 $0x1  }
0x2: {  	[smem:$0x3F96] =	sst lr;
	_ =	strace $0xD0000000  }
0x3: {  	_ = 	snop  }
0x4: {  	_ = 	snop  }
0x5: {  	_ = 	snop  }
0x6: {  	_ = 	snop  }
0x7: {  	_ = 	snop  }
__scs_overlays_trampoline_lowered:
0x8: {  	[smem:$0x3FA5] =	sst s0  }
0x9: {  	[smem:$0x3FA6] =	sst s1  }
0xa: {  	[smem:$0x3FA7] =	sst s2  }
0xb: {  	[smem:$0x3FA8] =	sst s3  }
0xc: {  	[smem:$0x3FA9] =	sst s4  }
0xd: {  	[smem:$0x3FAA] =	sst s5  }
0xe: {  	[smem:$0x3FAB] =	sst s6  }
0xf: {  	[smem:$0x3FAC] =	sst s7  }
0x10: {  	[smem:$0x3FAD] =	sst s8  }
0x11: {  	[smem:$0x3FAE] =	sst s9;
	s0 =	simm.s32 @!p0 $0x0  }
0x12: {  	s1 =	sld [smem:$0x3F94];
	s0 =	simm.s32 @p0 $0x1  }
0x13: {  	[smem:$0x3FAF] =	sst s0;
	s0 =	simm.s32 @!p1 $0x0  }
0x14: {  	s2 =	sld [smem:$0x3F93];
	s0 =	simm.s32 @p1 $0x1  }
0x15: {  	[smem:$0x3FB0] =	sst s0;
	s0 =	simm.s32 @!p2 $0x0  }
0x16: {  	s3 =	sld [smem:$0x3FDB];
	s0 =	simm.s32 @p2 $0x1  }
0x17: {  	s4 =	simm.s32 $0x1BF5;
	[smem:$0x3FB2] =	sst s0  }
0x18: {  	s0 =	sld [smem:$0x3F95];
	_ =	swait.ge [sflag:s4], $0x0  }
0x19: {  	s7 =	sld [smem:$0x3F96]  }
0x1a: {  	s8 =	sadd.s32 $0xFFFFE003, lr  }
0x1b: {  	s9 =	sadd.s32 $0xFFFFFEF7, lr;
	s5 =	simm.s32 $0xFFFFFFFF;
	p2 =	slt.u32 s8, $0xFFFFF086  }
0x1c: {  	p1 =	slt.u32 s9, $0xF7A;
	s5 =	simm.s32 @!p2 $0x0  }
0x1d: {  	s5 =	simm.s32 @p1 $0x1;
	p0 =	seq.s32 s7, s2  }
0x1e: {  	s7 =	smul.u32 @!p0 $0xF7A, s2;
	p2 =	seq.s32 @!p0 s5, $0x0  }
0x1f: {  	s9 =	smul.u32 $0xF7A, s1;
	s8 =	simm.s32 @!p0 $0x1BF5;
	p2 =	por !p2, p0  }
0x20: {  	[sflag:s8] =	ssyncset.s32 @!p0 $0xFFFFF086;
	s6 =	sadd.s32 @!p0 s3, s7;
	s7 =	simm.s32 @!p0 $0x108  }
0x21: {  	s3 =	sadd.s32 s3, s9;
	s6 =	sadd.s32 @!p0 $0x88, s6;
	s7 =	simm.s32 @p2 $0x1082  }
0x22: {  	[simem:s7], [sflag:s8] =	dma.local @!p0 [hbm:s6], $0xF7A  }
0x23: {  	s9 =	sor.u32 $0xD0000000, s2;
	s6 =	simm.s32 $0x108;
	_ =	swait.ge @!p0 [sflag:s8], $0x0  }
0x24: {  	s3 =	sadd.s32 $0x88, s3;
	s6 =	simm.s32 @!p1 $0x1082;
	[sflag:s4] =	ssyncset.s32 $0xFFFFF086  }
0x25: {  	[simem:s6], [sflag:s4] =	dma.local [hbm:s3], $0xF7A  }
0x26: {  	[smem:$0x3F96] =	sst s1;
	(tag) =	ssettag s2;
	_ =	strace s9  }
0x27: {  	s1 =	sld [smem:$0x3FA6]  }
0x28: {  	s2 =	sld [smem:$0x3FA7]  }
0x29: {  	s4 =	sld [smem:$0x3FA9]  }
0x2a: {  	p0 =	seq.s32 s5, $0x0;
	s5 =	sld [smem:$0x3FAA]  }
0x2b: {  	s6 =	sld [smem:$0x3FAB]  }
0x2c: {  	s7 =	sld [smem:$0x3FAC]  }
0x2d: {  	s3 =	simm.s32 $0x108;
	s8 =	sld [smem:$0x3FAD]  }
0x2e: {  	s3 =	simm.s32 @!p0 $0x1082;
	s9 =	sld [smem:$0x3FAE]  }
0x2f: {  	lr =	sadd.s32 s0, s3;
	s0 =	sld [smem:$0x3FA5]  }
0x30: {  	s3 =	sld [smem:$0x3FA8]  }
0x31: {  	[smem:$0x3FB1] =	sst s10  }
0x32: {  	s10 =	sld [smem:$0x3FAF];
	_ =	sdelay $0x3  }
0x33: {  	p0 =	seq.s32 s10, $0x1;
	s10 =	sld [smem:$0x3FB1];
	_ =	sdelay $0x3  }
0x34: {  	[smem:$0x3FB1] =	sst s10  }
0x35: {  	s10 =	sld [smem:$0x3FB0];
	_ =	sdelay $0x3  }
0x36: {  	p1 =	seq.s32 s10, $0x1;
	s10 =	sld [smem:$0x3FB1];
	_ =	sdelay $0x3  }
0x37: {  	[smem:$0x3FB1] =	sst s10  }
0x38: {  	s10 =	sld [smem:$0x3FB2]  }
0x39: {  	_ = 	snop;
	(pc) =	sbr.ind lr, $3  }
0x3a: {  	_ = 	snop  }
0x3b: {  	_ = 	snop  }
0x3c: {  	p2 =	seq.s32 s10, $0x1;
	s10 =	sld [smem:$0x3FB1]  }
0x3d: {  	_ =	shalt  }
0x3e: {  	_ =	shalt  }
0x3f: {  	_ =	shalt  }
0x40: {  	_ =	shalt  }
0x41: {  	_ =	shalt  }
0x42: {  	_ =	shalt  }
0x43: {  	_ =	shalt  }
0x44: {  	_ =	shalt  }
0x45: {  	_ =	shalt  }
0x46: {  	_ =	shalt  }
0x47: {  	_ =	shalt  }
0x48: {  	_ =	shalt  }
0x49: {  	_ =	shalt  }
0x4a: {  	_ =	shalt  }
0x4b: {  	_ =	shalt  }
0x4c: {  	_ =	shalt  }
0x4d: {  	_ =	shalt  }
0x4e: {  	_ =	shalt  }
0x4f: {  	_ =	shalt  }
0x50: {  	_ =	shalt  }
0x51: {  	_ =	shalt  }
0x52: {  	_ =	shalt  }
0x53: {  	_ =	shalt  }
0x54: {  	_ =	shalt  }
0x55: {  	_ =	shalt  }
0x56: {  	_ =	shalt  }
0x57: {  	_ =	shalt  }
0x58: {  	_ =	shalt  }
0x59: {  	_ =	shalt  }
0x5a: {  	_ =	shalt  }
0x5b: {  	_ =	shalt  }
0x5c: {  	_ =	shalt  }
0x5d: {  	_ =	shalt  }
0x5e: {  	_ =	shalt  }
0x5f: {  	_ =	shalt  }
0x60: {  	_ =	shalt  }
0x61: {  	_ =	shalt  }
0x62: {  	_ =	shalt  }
0x63: {  	_ =	shalt  }
0x64: {  	_ =	shalt  }
0x65: {  	_ =	shalt  }
0x66: {  	_ =	shalt  }
0x67: {  	_ =	shalt  }
0x68: {  	_ =	shalt  }
0x69: {  	_ =	shalt  }
0x6a: {  	_ =	shalt  }
0x6b: {  	_ =	shalt  }
0x6c: {  	_ =	shalt  }
0x6d: {  	_ =	shalt  }
0x6e: {  	_ =	shalt  }
0x6f: {  	_ =	shalt  }
0x70: {  	_ =	shalt  }
0x71: {  	_ =	shalt  }
0x72: {  	_ =	shalt  }
0x73: {  	_ =	shalt  }
0x74: {  	_ =	shalt  }
0x75: {  	_ =	shalt  }
0x76: {  	_ =	shalt  }
0x77: {  	_ =	shalt  }
0x78: {  	_ =	shalt  }
0x79: {  	_ =	shalt  }
0x7a: {  	_ =	shalt  }
0x7b: {  	_ =	shalt  }
0x7c: {  	_ =	shalt  }
0x7d: {  	_ =	shalt  }
0x7e: {  	_ =	shalt  }
0x7f: {  	_ =	shalt  }
0x80: {  	_ =	shalt  }
0x81: {  	_ =	shalt  }
0x82: {  	_ =	shalt  }
0x83: {  	_ =	shalt  }
0x84: {  	_ =	shalt  }
0x85: {  	_ =	shalt  }
0x86: {  	_ =	shalt  }
0x87: {  	_ =	shalt  }
.Lfunc_end0:
.L_simem_size_0:
called_computation.1_lowered:
.L_overlay_start_0:
0x88: {  	s2 =	sld [smem:$0x3FD9]  }
0x89: {  	s3 =	sld [smem:$0x3FFE];
	_ =	sdelay $0x1  }
0x8a: {  	s1 =	srdreg.scid  }
0x8b: {  	s0 =	sand.u32 $0x1, s1  }
0x8c: {  	s14 =	sshll.u32 s0, $0xA;
	s2 =	sadd.s32 s3, s2  }
0x8d: {  	s2 =	sadd.s32 s2, s14  }
0x8e: {  	[smem:$0x3FBD] =	sst s2  }
0x8f: {  	_ = 	snop  }
0x90: {  	s2 =	sld [smem:$0x3FD0];
	_ =	sdelay $0x2  }
0x91: {  	s15 =	simm.s32 $0xA;
	s4 =	simm.s32 $0x10  }
0x92: {  	[smem:s4], [sflag:s15] =	dma.local [hbm:s2], $0x1  }
0x93: {  	_ =	swait.eq [sflag:s15], $0x1  }
0x94: {  	[sflag:s15] =	ssyncset.done $0x0  }
0x95: {  	s16 =	sld [smem:$0x10];
	[sflag:s15] =	ssyncadd.s32 $0xFFFFFFFF  }
0x96: {  	s17 =	sld [smem:$0x11];
	(tm) =	ssettm $0x1  }
0x97: {  	s18 =	sld [smem:$0x3FFB];
	_ =	sdelay $0x3  }
0x98: {  	_ =	strace s18  }
0x99: {  	s4 =	sld [smem:$0x3FFC];
	_ =	sdelay $0x3  }
0x9a: {  	_ =	strace s4  }
0x9b: {  	s4 =	sld [smem:$0x3FFD];
	_ =	sdelay $0x3  }
0x9c: {  	_ =	strace s4  }
0x9d: {  	_ =	strace $0x8FFFFFFF  }
0x9e: {  	s19 =	sld [smem:$0x3FDB];
	_ =	sdelay $0x1  }
0x9f: {  	s5 =	simm.s32 $_scs_section_size  }
0xa0: {  	s6 =	simm.s32 $_size__tile_overlayer_lowered;
	s7 =	simm.s32 $_tile_overlayer_lowered  }
0xa1: {  	s22 =	simm.s32 $0x1BFF;
	s21 =	sshll.u32 s7, $0x1;
	s4 =	sadd.s32 s5, s19  }
0xa2: {  	s8 =	simm.s32 $0x0;
	s20 =	sshll.u32 s6, $0x1;
	s6 =	sadd.s32 s21, s4  }
0xa3: {  	[timem:s8], [sflag:s22] =	dma.local [hbm:s6], s20  }
0xa4: {  	_ =	swait.ge [sflag:s22], s20  }
0xa5: {  	s5 =	ssub.s32 $0x0, s20;
	[sflag:s22] =	ssyncset.done $0x0  }
0xa6: {  	[sflag:s22] =	ssyncadd.s32 s5;
	_ =	sdelay $0x1  }
0xa7: {  	s23 =	simm.s32 $0x1B8B  }
0xa8: {  	_ =	swait.ge [sflag:s23], $0x1  }
0xa9: {  	[sflag:s23] =	ssyncset.done $0x0  }
0xaa: {  	s25 =	simm.s32 $0x1B8E;
	s24 =	sld [smem:$0x3FFE];
	[sflag:s23] =	ssyncadd.s32 $0xFFFFFFFF  }
0xab: {  	s26 =	simm.s32 $execute0_lowered;
	[smem:$0x3FD2] =	sst s25  }
0xac: {  	s6 =	sshll.u32 s26, $0x1;
	_ =	strace $0x80000049;
	[dreg:$0x1] =	wrdreg $0xFFFFFFFF  }
0xad: {  	s28 =	simm.s32 $_size_execute0_lowered;
	s4 =	sadd.s32 s4, s6;
	[dreg:$0x0] =	wrdreg $0x0  }
0xae: {  	s6 =	sshll.u32 s28, $0x1;
	[dreg:$0x2] =	wrdreg s4  }
0xaf: {  	[dreg:$0x3] =	wrdreg s6  }
0xb0: {  	[dreg:$0x4] =	wrdreg $0xC0  }
0xb1: {  	_ =	task [dreg:s8], $0x5FFFF  }
0xb2: {  	[dreg:$0x1] =	wrdreg $0xFFFFFFFF  }
0xb3: {  	[dreg:$0x0] =	wrdreg $0x60  }
0xb4: {  	[dreg:$0x2] =	wrdreg s24  }
0xb5: {  	[dreg:$0x3] =	wrdreg s16  }
0xb6: {  	[dreg:$0x4] =	wrdreg s17  }
0xb7: {  	[dreg:$0x5] =	wrdreg $0x82000  }
0xb8: {  	[dreg:$0x6] =	wrdreg $0x9  }
0xb9: {  	_ =	task.clear_ibuf [dreg:s8], $0x7FFFF;
	_ =	strace $0x90000049  }
0xba: {  	s29 =	simm.s32 $0x9;
	_ =	strace $0x8000004B  }
0xbb: {  	_ =	swait.ge [sflag:s29], $0x1  }
0xbc: {  	[sflag:s29] =	ssyncadd.s32 $0xFFFFFFFF  }
0xbd: {  	_ =	strace $0x9000004B  }
0xbe: {  	_ =	sfence  }
0xbf: {  	s30 =	sld [smem:$0x0];
	_ =	sdelay $0x2  }
0xc0: {  	s31 =	sshll.u32 s1, $0xD;
	s1 =	sshrl.u32 s1, $0x2  }
0xc1: {  	s3 =	sand.u32 $0x4000, s31;
	s1 =	sadd.s32 s1, s30  }
0xc2: {  	s0 =	sor.u32 s3, s0;
	s1 =	sshll.u32 s1, $0x11  }
0xc3: {  	s0 =	sor.u32 s1, s0  }
0xc4: {  	s0 =	sadd.s32 $0x8F2B, s0  }
0xc5: {  	[sflag:s0] =	ssyncadd.remote.s32 $0x1  }
0xc6: {  	_ =	sfence.sel $0xFFFF  }
0xc7: {  	[dreg:$0x0] =	wrdreg $0xFFFFFFFF;
	(pc) =	sbr.abs _section_cstart, $3  }
0xc8: {  	[dreg:$0x1] =	wrdreg $0xFFFFFFFF  }
0xc9: {  	_ =	task.clear_ibuf [dreg:s8], $0x2FFFF;
	_ =	strace $0x9FFFFFFF  }
0xca: {  	(tm) =	ssettm $0x7FFFFFFF  }
0xcb: {  	_ =	shalt  }
tec
execute0_lowered:
.L_overlay_start_1:
0x0: {  	(tag) =	ssettag $0x1  }
0x1: {  	s5 =	rddreg [dreg:$0x0]  }
0x2: {  	s15 =	rddreg [dreg:$0x1]  }
0x3: {  	s16 =	rddreg [dreg:$0x2];
	s1 =	srdreg.scid  }
0x4: {  	s0 =	stileid.u32;
	s2 =	rddreg [dreg:$0x3]  }
0x5: {  	s3 =	simm.s32 $0x0;
	s21 =	simm.s32 $0x80;
	s22 =	simm.s32 $0x180  }
0x6: {  	s23 =	simm.s32 $0x4200;
	s24 =	simm.s32 $0x1;
	s25 =	simm.s32 $0x2  }
0x7: {  	s26 =	simm.s32 $0x0;
	s7 =	sand.u32 $0x1, s1;
	s6 =	smul.u32 $0x2780, s0  }
0x8: {  	[smem:$0x7FF] =	sst s3;
	s9 =	smul.u32 $0x4F000, s0;
	s4 =	sadd.s32 $0x3400, s5  }
0x9: {  	s17 =	sshll.u32 s0, $0x5;
	s8 =	smul.u32 $0x27800, s7;
	_ =	strace $0x8000004A  }
0xa: {  	s10 =	ssub.s32 $0x2, s7;
	s18 =	sshll.u32 s7, $0x4;
	s20 =	sadd.s32 s17, s15  }
0xb: {  	s31 =	sshrl.u32 s10, $0x1;
	s9 =	sshrl.u32 s9, $0x2;
	s14 =	sor.u32 s18, s17  }
0xc: {  	s17 =	sadd.s32 s17, s16;
	s6 =	sadd.s32 s6, s8;
	s13 =	ssub.s32 s10, s31  }
0xd: {  	s10 =	sadd.s32 s15, s14;
	s11 =	sadd.s32 s16, s14;
	s19 =	sor.u32 $0x9E00, s14  }
0xe: {  	s17 =	sadd.s32 s18, s17;
	s12 =	sadd.s32 s6, s5;
	s5 =	sadd.s32 s9, s2  }
0xf: {  	s13 =	smax.u32 s13, $0x1;
	s14 =	sadd.s32 s15, s19;
	s15 =	sadd.s32 s16, s19  }
0x10: {  	s16 =	sadd.s32 s18, s20;
	s18 =	simm.s32 $0x200;
	s19 =	simm.s32 $0x3  }
0x11: {  	s20 =	simm.s32 $0x100;
	s6 =	sadd.s32 $0x4000, s5;
	s7 =	sadd.s32 $0x8000, s5  }
0x12: {  	v0 =	vimm.f32 $0.0e+00;
	s8 =	sadd.s32 $0xC000, s5;
	s9 =	sadd.s32 $0x10000, s5;
	s12 =	sadd.s32 $0x2A600, s12  }
.LBB2_1:
0x13: {  	s28 =	simm.s32 $0x0;
	s29 =	simm.s32 $0x200  }
.LBB2_2:
0x14: {  	p0 =	sne.s32 s29, $0xFE00;
	[tilespmem:s28+$0x270] =	vst v0  }
0x15: {  	[tilespmem:s28+$0x200] =	vst v0  }
0x16: {  	[tilespmem:s28+$0x210] =	vst v0  }
.Ltmp0:
0x17: {  	[tilespmem:s28+$0x220] =	vst v0;
	(pc) =	sbr.rel @p0 .LBB2_2-.Ltmp0, $4  }
0x18: {  	[tilespmem:s28+$0x230] =	vst v0  }
0x19: {  	[tilespmem:s28+$0x240] =	vst v0  }
0x1a: {  	[tilespmem:s28+$0x250] =	vst v0  }
0x1b: {  	[tilespmem:s28+$0x260] =	vst v0;
	s28 =	sshra.s32 s29, $0x2;
	s29 =	sadd.s32 $0x200, s29  }
0x1c: {  	[tilespmem:s28+$0x270] =	vst v0  }
0x1d: {  	[tilespmem:s28+$0x200] =	vst v0  }
0x1e: {  	[tilespmem:s28+$0x210] =	vst v0  }
0x1f: {  	[tilespmem:s28+$0x220] =	vst v0  }
0x20: {  	[tilespmem:s28+$0x230] =	vst v0  }
0x21: {  	[tilespmem:s28+$0x240] =	vst v0  }
0x22: {  	[tilespmem:s28+$0x250] =	vst v0  }
0x23: {  	[tilespmem:s28+$0x260] =	vst v0  }
0x24: {  	[spmem:s5] =	stream.linear.scatter [tilespmem:s18], [sflag:$0x3], $0x4000, $0x38;
	[tilespmem:$0x1BE00] =	vst v63  }
0x25: {  	_ =	swait.ge [sflag:s19], $0x4000  }
0x26: {  	[sflag:s19] =	ssyncset.done $0x0  }
0x27: {  	[sflag:s19] =	ssyncadd.s32 $0xFFFFC000  }
0x28: {  	[spmem:s6] =	stream.linear.scatter [tilespmem:s18], [sflag:$0x3], $0x4000, $0x38;
	[tilespmem:$0x1BE00] =	vst v63  }
0x29: {  	_ =	swait.ge [sflag:s19], $0x4000  }
0x2a: {  	[sflag:s19] =	ssyncset.done $0x0  }
0x2b: {  	[sflag:s19] =	ssyncadd.s32 $0xFFFFC000  }
0x2c: {  	[spmem:s7] =	stream.linear.scatter [tilespmem:s18], [sflag:$0x3], $0x4000, $0x38;
	[tilespmem:$0x1BE00] =	vst v63  }
0x2d: {  	_ =	swait.ge [sflag:s19], $0x4000  }
0x2e: {  	[sflag:s19] =	ssyncset.done $0x0  }
0x2f: {  	[sflag:s19] =	ssyncadd.s32 $0xFFFFC000  }
0x30: {  	[spmem:s8] =	stream.linear.scatter [tilespmem:s18], [sflag:$0x3], $0x4000, $0x38;
	[tilespmem:$0x1BE00] =	vst v63  }
0x31: {  	_ =	swait.ge [sflag:s19], $0x4000  }
0x32: {  	[sflag:s19] =	ssyncset.done $0x0  }
0x33: {  	[sflag:s19] =	ssyncadd.s32 $0xFFFFC000  }
0x34: {  	[spmem:s9] =	stream.linear.scatter [tilespmem:s18], [sflag:$0x3], $0x3C00, $0x38;
	[tilespmem:$0x1BE00] =	vst v63  }
0x35: {  	_ =	swait.ge [sflag:s19], $0x3C00  }
0x36: {  	[sflag:s19] =	ssyncset.done $0x0  }
0x37: {  	[sflag:s19] =	ssyncadd.s32 $0xFFFFC400  }
0x38: {  	s28 =	simm.s32 $0x0;
	[bflag:$0x0] =	sbarrier.arrive $0xFFFF  }
0x39: {  	[tilespmem:s28], [sflag:$0x3] =	stream.linear.gather [hbm4b:s10+s28], $0x80, $0x38;
	[tilespmem:$0x1BE00] =	vst v63  }
0x3a: {  	_ =	swait.ge [sflag:s19], $0x80  }
0x3b: {  	[sflag:s19] =	ssyncset.done $0x0  }
0x3c: {  	[sflag:s19] =	ssyncadd.s32 $0xFFFFFF80  }
0x3d: {  	[tilespmem:s20], [sflag:$0x3] =	stream.linear.gather [hbm4b:s11+s28], $0x80, $0x38;
	[tilespmem:$0x1BE00] =	vst v63  }
0x3e: {  	_ =	swait.ge [sflag:s19], $0x80  }
0x3f: {  	[sflag:s19] =	ssyncset.done $0x0  }
0x40: {  	[sflag:s19] =	ssyncadd.s32 $0xFFFFFF80  }
0x41: {  	[tilespmem:s18], [sflag:$0x1] =	stream.indirect.gather [hbm4b:s4+s21], $0x80, s28, s21, $0xb8;
	[tilespmem:$0x1BE00] =	vst v63  }
0x42: {  	s28 =	sadd.s32 $0x0, s16  }
0x43: {  	s29 =	sadd.s32 $0x200, s28  }
0x44: {  	[tilespmem:s21], [sflag:$0x3] =	stream.linear.gather [hbm4b:s29+s3], $0x80, $0x38;
	[tilespmem:$0x1BE00] =	vst v63  }
0x45: {  	_ =	swait.ge [sflag:s19], $0x80  }
0x46: {  	s1 =	sadd.s32 $0x0, s17;
	[sflag:s19] =	ssyncset.done $0x0  }
0x47: {  	s30 =	sadd.s32 $0x200, s1;
	[sflag:s19] =	ssyncadd.s32 $0xFFFFFF80  }
0x48: {  	[tilespmem:s22], [sflag:$0x3] =	stream.linear.gather [hbm4b:s30+s3], $0x80, $0x38;
	[tilespmem:$0x1BE00] =	vst v63  }
0x49: {  	_ =	swait.ge [sflag:s19], $0x80  }
0x4a: {  	[sflag:s19] =	ssyncset.done $0x0  }
0x4b: {  	[sflag:s19] =	ssyncadd.s32 $0xFFFFFF80  }
0x4c: {  	[tilespmem:s23], [sflag:$0x2] =	stream.indirect.gather [hbm4b:s4+s21], $0x80, s21, s21, $0xb8;
	[tilespmem:$0x1BE00] =	vst v63  }
0x4d: {  	_ =	swait.ge [sflag:s24], $0x4000  }
0x4e: {  	[sflag:s24] =	ssyncset.done $0x0  }
0x4f: {  	[sflag:s24] =	ssyncadd.s32 $0xFFFFC000  }
0x50: {  	[spmem:s2] =	stream.indirect.scatter.add.f32 [tilespmem:s18], [sflag:$0x3], $0x80, s20, s21, $0xb8;
	[tilespmem:$0x1BE00] =	vst v63  }
0x51: {  	_ =	swait.ge [sflag:s19], $0x4000  }
0x52: {  	[sflag:s19] =	ssyncset.done $0x0  }
0x53: {  	s28 =	sadd.s32 $0x400, s28;
	[sflag:s19] =	ssyncadd.s32 $0xFFFFC000  }
0x54: {  	[tilespmem:s3], [sflag:$0x3] =	stream.linear.gather [hbm4b:s28+s3], $0x80, $0x38;
	[tilespmem:$0x1BE00] =	vst v63  }
0x55: {  	_ =	swait.ge [sflag:s19], $0x80  }
0x56: {  	[sflag:s19] =	ssyncset.done $0x0  }
0x57: {  	s28 =	sadd.s32 $0x400, s1;
	[sflag:s19] =	ssyncadd.s32 $0xFFFFFF80  }
0x58: {  	[tilespmem:s20], [sflag:$0x3] =	stream.linear.gather [hbm4b:s28+s3], $0x80, $0x38;
	[tilespmem:$0x1BE00] =	vst v63  }
0x59: {  	_ =	swait.ge [sflag:s19], $0x80  }
0x5a: {  	[sflag:s19] =	ssyncset.done $0x0  }
0x5b: {  	[sflag:s19] =	ssyncadd.s32 $0xFFFFFF80  }
0x5c: {  	[tilespmem:s18], [sflag:$0x1] =	stream.indirect.gather [hbm4b:s4+s21], $0x80, s3, s21, $0xb8;
	[tilespmem:$0x1BE00] =	vst v63  }
0x5d: {  	_ =	swait.ge [sflag:s25], $0x4000  }
0x5e: {  	[sflag:s25] =	ssyncset.done $0x0  }
0x5f: {  	[sflag:s25] =	ssyncadd.s32 $0xFFFFC000  }
0x60: {  	[spmem:s2] =	stream.indirect.scatter.add.f32 [tilespmem:s23], [sflag:$0x3], $0x80, s22, s21, $0xb8;
	[tilespmem:$0x1BE00] =	vst v63  }
0x61: {  	s31 =	simm.s32 $0x800;
	_ =	swait.ge [sflag:s19], $0x4000  }
0x62: {  	s30 =	sadd.s32 $0x400, s16;
	s28 =	simm.s32 $0x400;
	[sflag:s19] =	ssyncset.done $0x0  }
.LBB2_4:
0x63: {  	s1 =	sadd.s32 $0x200, s30  }
0x64: {  	[sflag:s19] =	ssyncadd.s32 $0xFFFFC000;
	s0 =	smov.u32 s31;
	s29 =	sadd.s32 $0x400, s31  }
0x65: {  	[tilespmem:s21], [sflag:$0x3] =	stream.linear.gather [hbm4b:s1+s3], $0x80, $0x38;
	[tilespmem:$0x1BE00] =	vst v63  }
0x66: {  	p0 =	sne.s32 s31, $0x9800;
	_ =	swait.ge [sflag:s19], $0x80  }
0x67: {  	s1 =	sadd.s32 s28, s17;
	s28 =	smov.u32 s0;
	[sflag:s19] =	ssyncset.done $0x0  }
0x68: {  	s0 =	sadd.s32 $0x200, s1;
	[sflag:s19] =	ssyncadd.s32 $0xFFFFFF80  }
0x69: {  	[tilespmem:s22], [sflag:$0x3] =	stream.linear.gather [hbm4b:s0+s3], $0x80, $0x38;
	[tilespmem:$0x1BE00] =	vst v63  }
0x6a: {  	_ =	swait.ge [sflag:s19], $0x80  }
0x6b: {  	[sflag:s19] =	ssyncset.done $0x0  }
0x6c: {  	[sflag:s19] =	ssyncadd.s32 $0xFFFFFF80  }
0x6d: {  	[tilespmem:s23], [sflag:$0x2] =	stream.indirect.gather [hbm4b:s4+s21], $0x80, s21, s21, $0xb8;
	[tilespmem:$0x1BE00] =	vst v63  }
0x6e: {  	_ =	swait.ge [sflag:s24], $0x4000  }
0x6f: {  	[sflag:s24] =	ssyncset.done $0x0  }
0x70: {  	[sflag:s24] =	ssyncadd.s32 $0xFFFFC000  }
0x71: {  	[spmem:s2] =	stream.indirect.scatter.add.f32 [tilespmem:s18], [sflag:$0x3], $0x80, s20, s21, $0xb8;
	[tilespmem:$0x1BE00] =	vst v63  }
0x72: {  	_ =	swait.ge [sflag:s19], $0x4000  }
0x73: {  	[sflag:s19] =	ssyncset.done $0x0  }
0x74: {  	s0 =	sadd.s32 $0x400, s30;
	[sflag:s19] =	ssyncadd.s32 $0xFFFFC000  }
0x75: {  	[tilespmem:s3], [sflag:$0x3] =	stream.linear.gather [hbm4b:s0+s3], $0x80, $0x38;
	[tilespmem:$0x1BE00] =	vst v63  }
0x76: {  	_ =	swait.ge [sflag:s19], $0x80  }
0x77: {  	[sflag:s19] =	ssyncset.done $0x0  }
0x78: {  	s0 =	sadd.s32 $0x400, s1;
	[sflag:s19] =	ssyncadd.s32 $0xFFFFFF80  }
0x79: {  	[tilespmem:s20], [sflag:$0x3] =	stream.linear.gather [hbm4b:s0+s3], $0x80, $0x38;
	[tilespmem:$0x1BE00] =	vst v63  }
0x7a: {  	_ =	swait.ge [sflag:s19], $0x80  }
0x7b: {  	[sflag:s19] =	ssyncset.done $0x0  }
0x7c: {  	[sflag:s19] =	ssyncadd.s32 $0xFFFFFF80  }
0x7d: {  	[tilespmem:s18], [sflag:$0x1] =	stream.indirect.gather [hbm4b:s4+s21], $0x80, s3, s21, $0xb8;
	[tilespmem:$0x1BE00] =	vst v63  }
0x7e: {  	_ =	swait.ge [sflag:s25], $0x4000  }
.Ltmp1:
0x7f: {  	[sflag:s25] =	ssyncset.done $0x0;
	(pc) =	sbr.rel @p0 .LBB2_4-.Ltmp1, $4  }
0x80: {  	[sflag:s25] =	ssyncadd.s32 $0xFFFFC000  }
0x81: {  	[spmem:s2] =	stream.indirect.scatter.add.f32 [tilespmem:s23], [sflag:$0x3], $0x80, s22, s21, $0xb8;
	[tilespmem:$0x1BE00] =	vst v63  }
0x82: {  	_ =	swait.ge [sflag:s19], $0x4000  }
0x83: {  	s31 =	smov.u32 s29;
	s30 =	sadd.s32 s28, s16;
	[sflag:s19] =	ssyncset.done $0x0  }
0x84: {  	s0 =	sadd.s32 $0x200, s30;
	[sflag:s19] =	ssyncadd.s32 $0xFFFFC000  }
0x85: {  	[tilespmem:s21], [sflag:$0x3] =	stream.linear.gather [hbm4b:s0+s3], $0x80, $0x38;
	[tilespmem:$0x1BE00] =	vst v63  }
0x86: {  	_ =	swait.ge [sflag:s19], $0x80  }
0x87: {  	s28 =	sadd.s32 s28, s17;
	[sflag:s19] =	ssyncset.done $0x0  }
0x88: {  	s1 =	sadd.s32 $0x200, s28;
	[sflag:s19] =	ssyncadd.s32 $0xFFFFFF80  }
0x89: {  	[tilespmem:s22], [sflag:$0x3] =	stream.linear.gather [hbm4b:s1+s3], $0x80, $0x38;
	[tilespmem:$0x1BE00] =	vst v63  }
0x8a: {  	_ =	swait.ge [sflag:s19], $0x80  }
0x8b: {  	[sflag:s19] =	ssyncset.done $0x0  }
0x8c: {  	[sflag:s19] =	ssyncadd.s32 $0xFFFFFF80  }
0x8d: {  	[tilespmem:s23], [sflag:$0x2] =	stream.indirect.gather [hbm4b:s4+s21], $0x80, s21, s21, $0xb8;
	[tilespmem:$0x1BE00] =	vst v63  }
0x8e: {  	_ =	swait.ge [sflag:s24], $0x4000  }
0x8f: {  	[sflag:s24] =	ssyncset.done $0x0  }
0x90: {  	[sflag:s24] =	ssyncadd.s32 $0xFFFFC000  }
0x91: {  	[spmem:s2] =	stream.indirect.scatter.add.f32 [tilespmem:s18], [sflag:$0x3], $0x80, s20, s21, $0xb8;
	[tilespmem:$0x1BE00] =	vst v63  }
0x92: {  	_ =	swait.ge [sflag:s19], $0x4000  }
0x93: {  	[sflag:s19] =	ssyncset.done $0x0  }
0x94: {  	s29 =	sadd.s32 $0x400, s30;
	[sflag:s19] =	ssyncadd.s32 $0xFFFFC000  }
0x95: {  	[tilespmem:s3], [sflag:$0x3] =	stream.linear.gather [hbm4b:s29+s3], $0x80, $0x38;
	[tilespmem:$0x1BE00] =	vst v63  }
0x96: {  	_ =	swait.ge [sflag:s19], $0x80  }
0x97: {  	[sflag:s19] =	ssyncset.done $0x0  }
0x98: {  	s0 =	sadd.s32 $0x400, s28;
	[sflag:s19] =	ssyncadd.s32 $0xFFFFFF80  }
0x99: {  	[tilespmem:s20], [sflag:$0x3] =	stream.linear.gather [hbm4b:s0+s3], $0x80, $0x38;
	[tilespmem:$0x1BE00] =	vst v63  }
0x9a: {  	_ =	swait.ge [sflag:s19], $0x80  }
0x9b: {  	[sflag:s19] =	ssyncset.done $0x0  }
0x9c: {  	[sflag:s19] =	ssyncadd.s32 $0xFFFFFF80  }
0x9d: {  	[tilespmem:s18], [sflag:$0x1] =	stream.indirect.gather [hbm4b:s4+s21], $0x80, s3, s21, $0xb8;
	[tilespmem:$0x1BE00] =	vst v63  }
0x9e: {  	_ =	swait.ge [sflag:s25], $0x4000  }
0x9f: {  	[sflag:s25] =	ssyncset.done $0x0  }
0xa0: {  	[sflag:s25] =	ssyncadd.s32 $0xFFFFC000  }
0xa1: {  	[spmem:s2] =	stream.indirect.scatter.add.f32 [tilespmem:s23], [sflag:$0x3], $0x80, s22, s21, $0xb8;
	[tilespmem:$0x1BE00] =	vst v63  }
0xa2: {  	_ =	swait.ge [sflag:s19], $0x4000  }
0xa3: {  	[sflag:s19] =	ssyncset.done $0x0  }
0xa4: {  	[sflag:s19] =	ssyncadd.s32 $0xFFFFC000  }
0xa5: {  	[tilespmem:s21], [sflag:$0x3] =	stream.linear.gather [hbm4b:s14+s3], $0x80, $0x38;
	[tilespmem:$0x1BE00] =	vst v63  }
0xa6: {  	_ =	swait.ge [sflag:s19], $0x80  }
0xa7: {  	[sflag:s19] =	ssyncset.done $0x0  }
0xa8: {  	[sflag:s19] =	ssyncadd.s32 $0xFFFFFF80  }
0xa9: {  	[tilespmem:s22], [sflag:$0x3] =	stream.linear.gather [hbm4b:s15+s3], $0x80, $0x38;
	[tilespmem:$0x1BE00] =	vst v63  }
0xaa: {  	_ =	swait.ge [sflag:s19], $0x80  }
0xab: {  	[sflag:s19] =	ssyncset.done $0x0  }
0xac: {  	[sflag:s19] =	ssyncadd.s32 $0xFFFFFF80  }
0xad: {  	[tilespmem:s23], [sflag:$0x2] =	stream.indirect.gather [hbm4b:s4+s21], $0x80, s21, s21, $0xb8;
	[tilespmem:$0x1BE00] =	vst v63  }
0xae: {  	_ =	swait.ge [sflag:s24], $0x4000  }
0xaf: {  	[sflag:s24] =	ssyncset.done $0x0  }
0xb0: {  	[sflag:s24] =	ssyncadd.s32 $0xFFFFC000  }
0xb1: {  	[spmem:s2] =	stream.indirect.scatter.add.f32 [tilespmem:s18], [sflag:$0x3], $0x80, s20, s21, $0xb8;
	[tilespmem:$0x1BE00] =	vst v63  }
0xb2: {  	_ =	swait.ge [sflag:s19], $0x4000  }
0xb3: {  	[sflag:s19] =	ssyncset.done $0x0  }
0xb4: {  	[sflag:s19] =	ssyncadd.s32 $0xFFFFC000  }
0xb5: {  	_ =	swait.ge [sflag:s25], $0x4000  }
0xb6: {  	[sflag:s25] =	ssyncset.done $0x0  }
0xb7: {  	[sflag:s25] =	ssyncadd.s32 $0xFFFFC000  }
0xb8: {  	[spmem:s2] =	stream.indirect.scatter.add.f32 [tilespmem:s23], [sflag:$0x3], $0x80, s22, s21, $0xb8;
	[tilespmem:$0x1BE00] =	vst v63  }
0xb9: {  	s30 =	stileid.u32;
	_ =	swait.ge [sflag:s19], $0x4000  }
0xba: {  	s31 =	sshrl.u32 s5, $0x3;
	s26 =	sadd.s32 $0x1, s26;
	[sflag:s19] =	ssyncset.done $0x0  }
0xbb: {  	p0 =	sne.s32 s26, s13;
	s0 =	sshll.u32 s30, $0x6;
	[sflag:s19] =	ssyncadd.s32 $0xFFFFC000  }
.Ltmp2:
0xbc: {  	s0 =	sor.u32 $0x1C03, s0;
	[bflag:$0x0] =	sbarrier.arrive $0xFFFF;
	(pc) =	sbr.rel @p0 .LBB2_1-.Ltmp2, $4  }
0xbd: {  	[hbm:s12], [sflag:s0] =	dma.local [spmem:s31], $0x2780  }
0xbe: {  	_ =	swait.ge [sflag:s19], $0x2780  }
0xbf: {  	[sflag:s19] =	ssyncset.done $0x0  }
0xc0: {  	[sflag:s19] =	ssyncadd.s32 $0xFFFFD880  }
0xc1: {  	_ =	sfence.sel $0x180000  }
0xc2: {  	[bflag:$0x0] =	sbarrier.arrive $0xFFFF  }
0xc3: {  	_ =	strace $0x9000004A  }
0xc4: {  	s0 =	stileid.u32;
	[bflag:$0x2] =	sbarrier.arrive $0xFFFF  }
0xc5: {  	p0 =	sne.s32 s0, $0x0;
	s0 =	rddreg [dreg:$0x4]  }
0xc6: {  	s0 =	sadd.s32 @!p0 $0x100000, s0  }
0xc7: {  	[sflag:s0] =	ssyncadd.tile.s32 @!p0 $0x1;
	_ =	shalt  }
.Lfunc_end2:
_tile_overlayer_lowered:
.L_overlay_start_2:
0xc8: {  	(tag) =	ssettag $0x2  }
0xc9: {  	s0 =	rddreg [dreg:$0x0];
	s2 =	stileid.u32  }
0xca: {  	s1 =	rddreg [dreg:$0x1];
	p0 =	sne.s32 s2, $0x0  }
0xcb: {  	s3 =	rddreg [dreg:$0x2];
	[bflag:$0x3] =	sbarrier.arrive $0xFFFF;
	s2 =	simm.s32 @!p0 $0x1C03  }
0xcc: {  	[timem:s3], [sflag:s2] =	dma.local @!p0 [hbm:s0], s1  }
0xcd: {  	s0 =	simm.s32 @!p0 $0x3  }
0xce: {  	_ =	swait.ge @!p0 [sflag:s0], s1  }
0xcf: {  	s1 =	ssub.s32 @!p0 $0x0, s1;
	[sflag:s0] =	ssyncset.done @!p0 $0x0  }
0xd0: {  	[sflag:s0] =	ssyncadd.s32 @!p0 s1  }
0xd1: {  	[bflag:$0x3] =	sbarrier.arrive $0xFFFF  }
0xd2: {  	_ =	shalt  }

// kernel: kernel.15.cloned.1.call-start
scs
__scs_entry_jumppad:
0x0: {  	(pc) =	sbr.rel $0x88, $3  }
0x1: {  	(tag) =	ssettag $0x0;
	lr =	simm.s32 $0x1  }
0x2: {  	[smem:$0x3F96] =	sst lr;
	_ =	strace $0xD0000000  }
0x3: {  	_ = 	snop  }
0x4: {  	_ = 	snop  }
0x5: {  	_ = 	snop  }
0x6: {  	_ = 	snop  }
0x7: {  	_ = 	snop  }
__scs_overlays_trampoline_lowered:
0x8: {  	[smem:$0x3FA5] =	sst s0  }
0x9: {  	[smem:$0x3FA6] =	sst s1  }
0xa: {  	[smem:$0x3FA7] =	sst s2  }
0xb: {  	[smem:$0x3FA8] =	sst s3  }
0xc: {  	[smem:$0x3FA9] =	sst s4  }
0xd: {  	[smem:$0x3FAA] =	sst s5  }
0xe: {  	[smem:$0x3FAB] =	sst s6  }
0xf: {  	[smem:$0x3FAC] =	sst s7  }
0x10: {  	[smem:$0x3FAD] =	sst s8  }
0x11: {  	[smem:$0x3FAE] =	sst s9;
	s0 =	simm.s32 @!p0 $0x0  }
0x12: {  	s1 =	sld [smem:$0x3F94];
	s0 =	simm.s32 @p0 $0x1  }
0x13: {  	[smem:$0x3FAF] =	sst s0;
	s0 =	simm.s32 @!p1 $0x0  }
0x14: {  	s2 =	sld [smem:$0x3F93];
	s0 =	simm.s32 @p1 $0x1  }
0x15: {  	[smem:$0x3FB0] =	sst s0;
	s0 =	simm.s32 @!p2 $0x0  }
0x16: {  	s3 =	sld [smem:$0x3FDB];
	s0 =	simm.s32 @p2 $0x1  }
0x17: {  	s4 =	simm.s32 $0x1BF5;
	[smem:$0x3FB2] =	sst s0  }
0x18: {  	s0 =	sld [smem:$0x3F95];
	_ =	swait.ge [sflag:s4], $0x0  }
0x19: {  	s7 =	sld [smem:$0x3F96]  }
0x1a: {  	s8 =	sadd.s32 $0xFFFFE003, lr  }
0x1b: {  	s9 =	sadd.s32 $0xFFFFFEF7, lr;
	s5 =	simm.s32 $0xFFFFFFFF;
	p2 =	slt.u32 s8, $0xFFFFF086  }
0x1c: {  	p1 =	slt.u32 s9, $0xF7A;
	s5 =	simm.s32 @!p2 $0x0  }
0x1d: {  	s5 =	simm.s32 @p1 $0x1;
	p0 =	seq.s32 s7, s2  }
0x1e: {  	s7 =	smul.u32 @!p0 $0xF7A, s2;
	p2 =	seq.s32 @!p0 s5, $0x0  }
0x1f: {  	s9 =	smul.u32 $0xF7A, s1;
	s8 =	simm.s32 @!p0 $0x1BF5;
	p2 =	por !p2, p0  }
0x20: {  	[sflag:s8] =	ssyncset.s32 @!p0 $0xFFFFF086;
	s6 =	sadd.s32 @!p0 s3, s7;
	s7 =	simm.s32 @!p0 $0x108  }
0x21: {  	s3 =	sadd.s32 s3, s9;
	s6 =	sadd.s32 @!p0 $0x88, s6;
	s7 =	simm.s32 @p2 $0x1082  }
0x22: {  	[simem:s7], [sflag:s8] =	dma.local @!p0 [hbm:s6], $0xF7A  }
0x23: {  	s9 =	sor.u32 $0xD0000000, s2;
	s6 =	simm.s32 $0x108;
	_ =	swait.ge @!p0 [sflag:s8], $0x0  }
0x24: {  	s3 =	sadd.s32 $0x88, s3;
	s6 =	simm.s32 @!p1 $0x1082;
	[sflag:s4] =	ssyncset.s32 $0xFFFFF086  }
0x25: {  	[simem:s6], [sflag:s4] =	dma.local [hbm:s3], $0xF7A  }
0x26: {  	[smem:$0x3F96] =	sst s1;
	(tag) =	ssettag s2;
	_ =	strace s9  }
0x27: {  	s1 =	sld [smem:$0x3FA6]  }
0x28: {  	s2 =	sld [smem:$0x3FA7]  }
0x29: {  	s4 =	sld [smem:$0x3FA9]  }
0x2a: {  	p0 =	seq.s32 s5, $0x0;
	s5 =	sld [smem:$0x3FAA]  }
0x2b: {  	s6 =	sld [smem:$0x3FAB]  }
0x2c: {  	s7 =	sld [smem:$0x3FAC]  }
0x2d: {  	s3 =	simm.s32 $0x108;
	s8 =	sld [smem:$0x3FAD]  }
0x2e: {  	s3 =	simm.s32 @!p0 $0x1082;
	s9 =	sld [smem:$0x3FAE]  }
0x2f: {  	lr =	sadd.s32 s0, s3;
	s0 =	sld [smem:$0x3FA5]  }
0x30: {  	s3 =	sld [smem:$0x3FA8]  }
0x31: {  	[smem:$0x3FB1] =	sst s10  }
0x32: {  	s10 =	sld [smem:$0x3FAF];
	_ =	sdelay $0x3  }
0x33: {  	p0 =	seq.s32 s10, $0x1;
	s10 =	sld [smem:$0x3FB1];
	_ =	sdelay $0x3  }
0x34: {  	[smem:$0x3FB1] =	sst s10  }
0x35: {  	s10 =	sld [smem:$0x3FB0];
	_ =	sdelay $0x3  }
0x36: {  	p1 =	seq.s32 s10, $0x1;
	s10 =	sld [smem:$0x3FB1];
	_ =	sdelay $0x3  }
0x37: {  	[smem:$0x3FB1] =	sst s10  }
0x38: {  	s10 =	sld [smem:$0x3FB2]  }
0x39: {  	_ = 	snop;
	(pc) =	sbr.ind lr, $3  }
0x3a: {  	_ = 	snop  }
0x3b: {  	_ = 	snop  }
0x3c: {  	p2 =	seq.s32 s10, $0x1;
	s10 =	sld [smem:$0x3FB1]  }
0x3d: {  	_ =	shalt  }
0x3e: {  	_ =	shalt  }
0x3f: {  	_ =	shalt  }
0x40: {  	_ =	shalt  }
0x41: {  	_ =	shalt  }
0x42: {  	_ =	shalt  }
0x43: {  	_ =	shalt  }
0x44: {  	_ =	shalt  }
0x45: {  	_ =	shalt  }
0x46: {  	_ =	shalt  }
0x47: {  	_ =	shalt  }
0x48: {  	_ =	shalt  }
0x49: {  	_ =	shalt  }
0x4a: {  	_ =	shalt  }
0x4b: {  	_ =	shalt  }
0x4c: {  	_ =	shalt  }
0x4d: {  	_ =	shalt  }
0x4e: {  	_ =	shalt  }
0x4f: {  	_ =	shalt  }
0x50: {  	_ =	shalt  }
0x51: {  	_ =	shalt  }
0x52: {  	_ =	shalt  }
0x53: {  	_ =	shalt  }
0x54: {  	_ =	shalt  }
0x55: {  	_ =	shalt  }
0x56: {  	_ =	shalt  }
0x57: {  	_ =	shalt  }
0x58: {  	_ =	shalt  }
0x59: {  	_ =	shalt  }
0x5a: {  	_ =	shalt  }
0x5b: {  	_ =	shalt  }
0x5c: {  	_ =	shalt  }
0x5d: {  	_ =	shalt  }
0x5e: {  	_ =	shalt  }
0x5f: {  	_ =	shalt  }
0x60: {  	_ =	shalt  }
0x61: {  	_ =	shalt  }
0x62: {  	_ =	shalt  }
0x63: {  	_ =	shalt  }
0x64: {  	_ =	shalt  }
0x65: {  	_ =	shalt  }
0x66: {  	_ =	shalt  }
0x67: {  	_ =	shalt  }
0x68: {  	_ =	shalt  }
0x69: {  	_ =	shalt  }
0x6a: {  	_ =	shalt  }
0x6b: {  	_ =	shalt  }
0x6c: {  	_ =	shalt  }
0x6d: {  	_ =	shalt  }
0x6e: {  	_ =	shalt  }
0x6f: {  	_ =	shalt  }
0x70: {  	_ =	shalt  }
0x71: {  	_ =	shalt  }
0x72: {  	_ =	shalt  }
0x73: {  	_ =	shalt  }
0x74: {  	_ =	shalt  }
0x75: {  	_ =	shalt  }
0x76: {  	_ =	shalt  }
0x77: {  	_ =	shalt  }
0x78: {  	_ =	shalt  }
0x79: {  	_ =	shalt  }
0x7a: {  	_ =	shalt  }
0x7b: {  	_ =	shalt  }
0x7c: {  	_ =	shalt  }
0x7d: {  	_ =	shalt  }
0x7e: {  	_ =	shalt  }
0x7f: {  	_ =	shalt  }
0x80: {  	_ =	shalt  }
0x81: {  	_ =	shalt  }
0x82: {  	_ =	shalt  }
0x83: {  	_ =	shalt  }
0x84: {  	_ =	shalt  }
0x85: {  	_ =	shalt  }
0x86: {  	_ =	shalt  }
0x87: {  	_ =	shalt  }
.Lfunc_end0:
.L_simem_size_0:
called_computation.2_lowered:
.L_overlay_start_0:
0x88: {  	s2 =	sld [smem:$0x3FD9]  }
0x89: {  	s3 =	sld [smem:$0x3FFE];
	_ =	sdelay $0x1  }
0x8a: {  	s1 =	srdreg.scid  }
0x8b: {  	s0 =	sand.u32 $0x1, s1  }
0x8c: {  	s14 =	sshll.u32 s0, $0xA;
	s2 =	sadd.s32 s3, s2  }
0x8d: {  	s2 =	sadd.s32 s2, s14  }
0x8e: {  	[smem:$0x3FBD] =	sst s2  }
0x8f: {  	_ = 	snop  }
0x90: {  	s2 =	sld [smem:$0x3FD0];
	_ =	sdelay $0x2  }
0x91: {  	s15 =	simm.s32 $0xA;
	s4 =	simm.s32 $0x10  }
0x92: {  	[smem:s4], [sflag:s15] =	dma.local [hbm:s2], $0x1  }
0x93: {  	_ =	swait.eq [sflag:s15], $0x1  }
0x94: {  	[sflag:s15] =	ssyncset.done $0x0  }
0x95: {  	s16 =	sld [smem:$0x10];
	[sflag:s15] =	ssyncadd.s32 $0xFFFFFFFF  }
0x96: {  	s17 =	sld [smem:$0x11];
	(tm) =	ssettm $0x1  }
0x97: {  	s18 =	sld [smem:$0x3FFB];
	_ =	sdelay $0x3  }
0x98: {  	_ =	strace s18  }
0x99: {  	s4 =	sld [smem:$0x3FFC];
	_ =	sdelay $0x3  }
0x9a: {  	_ =	strace s4  }
0x9b: {  	s4 =	sld [smem:$0x3FFD];
	_ =	sdelay $0x3  }
0x9c: {  	_ =	strace s4  }
0x9d: {  	_ =	strace $0x8FFFFFFF  }
0x9e: {  	s19 =	sld [smem:$0x3FDB];
	_ =	sdelay $0x1  }
0x9f: {  	s5 =	simm.s32 $_scs_section_size  }
0xa0: {  	s6 =	simm.s32 $_size__tile_overlayer_lowered;
	s7 =	simm.s32 $_tile_overlayer_lowered  }
0xa1: {  	s22 =	simm.s32 $0x1BFF;
	s21 =	sshll.u32 s7, $0x1;
	s4 =	sadd.s32 s5, s19  }
0xa2: {  	s8 =	simm.s32 $0x0;
	s20 =	sshll.u32 s6, $0x1;
	s6 =	sadd.s32 s21, s4  }
0xa3: {  	[timem:s8], [sflag:s22] =	dma.local [hbm:s6], s20  }
0xa4: {  	_ =	swait.ge [sflag:s22], s20  }
0xa5: {  	s5 =	ssub.s32 $0x0, s20;
	[sflag:s22] =	ssyncset.done $0x0  }
0xa6: {  	[sflag:s22] =	ssyncadd.s32 s5;
	_ =	sdelay $0x1  }
0xa7: {  	s23 =	simm.s32 $0x1B8B  }
0xa8: {  	_ =	swait.ge [sflag:s23], $0x1  }
0xa9: {  	[sflag:s23] =	ssyncset.done $0x0  }
0xaa: {  	s25 =	simm.s32 $0x1B8E;
	s24 =	sld [smem:$0x3FFE];
	[sflag:s23] =	ssyncadd.s32 $0xFFFFFFFF  }
0xab: {  	s26 =	simm.s32 $execute0_lowered;
	[smem:$0x3FD2] =	sst s25  }
0xac: {  	s6 =	sshll.u32 s26, $0x1;
	_ =	strace $0x8000004C;
	[dreg:$0x1] =	wrdreg $0xFFFFFFFF  }
0xad: {  	s28 =	simm.s32 $_size_execute0_lowered;
	s4 =	sadd.s32 s4, s6;
	[dreg:$0x0] =	wrdreg $0x0  }
0xae: {  	s6 =	sshll.u32 s28, $0x1;
	[dreg:$0x2] =	wrdreg s4  }
0xaf: {  	[dreg:$0x3] =	wrdreg s6  }
0xb0: {  	[dreg:$0x4] =	wrdreg $0xC0  }
0xb1: {  	_ =	task [dreg:s8], $0x5FFFF  }
0xb2: {  	[dreg:$0x1] =	wrdreg $0xFFFFFFFF  }
0xb3: {  	[dreg:$0x0] =	wrdreg $0x60  }
0xb4: {  	[dreg:$0x2] =	wrdreg s24  }
0xb5: {  	[dreg:$0x3] =	wrdreg s16  }
0xb6: {  	[dreg:$0x4] =	wrdreg s17  }
0xb7: {  	[dreg:$0x5] =	wrdreg $0x82000  }
0xb8: {  	[dreg:$0x6] =	wrdreg $0x9  }
0xb9: {  	_ =	task.clear_ibuf [dreg:s8], $0x7FFFF;
	_ =	strace $0x9000004C  }
0xba: {  	s29 =	simm.s32 $0x9;
	_ =	strace $0x8000004E  }
0xbb: {  	_ =	swait.ge [sflag:s29], $0x1  }
0xbc: {  	[sflag:s29] =	ssyncadd.s32 $0xFFFFFFFF  }
0xbd: {  	_ =	strace $0x9000004E  }
0xbe: {  	_ =	sfence  }
0xbf: {  	s30 =	sld [smem:$0x0];
	_ =	sdelay $0x2  }
0xc0: {  	s31 =	sshll.u32 s1, $0xD;
	s1 =	sshrl.u32 s1, $0x2  }
0xc1: {  	s3 =	sand.u32 $0x4000, s31;
	s1 =	sadd.s32 s1, s30  }
0xc2: {  	s0 =	sor.u32 s3, s0;
	s1 =	sshll.u32 s1, $0x11  }
0xc3: {  	s0 =	sor.u32 s1, s0  }
0xc4: {  	s0 =	sadd.s32 $0x8F2B, s0  }
0xc5: {  	[sflag:s0] =	ssyncadd.remote.s32 $0x1  }
0xc6: {  	_ =	sfence.sel $0xFFFF  }
0xc7: {  	[dreg:$0x0] =	wrdreg $0xFFFFFFFF;
	(pc) =	sbr.abs _section_cstart, $3  }
0xc8: {  	[dreg:$0x1] =	wrdreg $0xFFFFFFFF  }
0xc9: {  	_ =	task.clear_ibuf [dreg:s8], $0x2FFFF;
	_ =	strace $0x9FFFFFFF  }
0xca: {  	(tm) =	ssettm $0x7FFFFFFF  }
0xcb: {  	_ =	shalt  }
tec
execute0_lowered:
.L_overlay_start_1:
0x0: {  	(tag) =	ssettag $0x1  }
0x1: {  	s5 =	rddreg [dreg:$0x0]  }
0x2: {  	s15 =	rddreg [dreg:$0x1]  }
0x3: {  	s16 =	rddreg [dreg:$0x2];
	s1 =	srdreg.scid  }
0x4: {  	s0 =	stileid.u32;
	s2 =	rddreg [dreg:$0x3]  }
0x5: {  	s3 =	simm.s32 $0x0;
	s21 =	simm.s32 $0x80;
	s22 =	simm.s32 $0x180  }
0x6: {  	s23 =	simm.s32 $0x4200;
	s24 =	simm.s32 $0x1;
	s25 =	simm.s32 $0x2  }
0x7: {  	s26 =	simm.s32 $0x0;
	s7 =	sand.u32 $0x1, s1;
	s6 =	smul.u32 $0x2780, s0  }
0x8: {  	[smem:$0x7FF] =	sst s3;
	s9 =	smul.u32 $0x4F000, s0;
	s4 =	sadd.s32 $0x3400, s5  }
0x9: {  	s17 =	sshll.u32 s0, $0x5;
	s8 =	smul.u32 $0x27800, s7;
	_ =	strace $0x8000004D  }
0xa: {  	s10 =	ssub.s32 $0x2, s7;
	s18 =	sshll.u32 s7, $0x4;
	s20 =	sadd.s32 s17, s15  }
0xb: {  	s31 =	sshrl.u32 s10, $0x1;
	s9 =	sshrl.u32 s9, $0x2;
	s14 =	sor.u32 s18, s17  }
0xc: {  	s17 =	sadd.s32 s17, s16;
	s6 =	sadd.s32 s6, s8;
	s13 =	ssub.s32 s10, s31  }
0xd: {  	s10 =	sadd.s32 s15, s14;
	s11 =	sadd.s32 s16, s14;
	s19 =	sor.u32 $0x9E00, s14  }
0xe: {  	s17 =	sadd.s32 s18, s17;
	s12 =	sadd.s32 s6, s5;
	s5 =	sadd.s32 s9, s2  }
0xf: {  	s13 =	smax.u32 s13, $0x1;
	s14 =	sadd.s32 s15, s19;
	s15 =	sadd.s32 s16, s19  }
0x10: {  	s16 =	sadd.s32 s18, s20;
	s18 =	simm.s32 $0x200;
	s19 =	simm.s32 $0x3  }
0x11: {  	s20 =	simm.s32 $0x100;
	s6 =	sadd.s32 $0x4000, s5;
	s7 =	sadd.s32 $0x8000, s5  }
0x12: {  	v0 =	vimm.f32 $0.0e+00;
	s8 =	sadd.s32 $0xC000, s5;
	s9 =	sadd.s32 $0x10000, s5;
	s12 =	sadd.s32 $0x2A600, s12  }
.LBB2_1:
0x13: {  	s28 =	simm.s32 $0x0;
	s29 =	simm.s32 $0x200  }
.LBB2_2:
0x14: {  	p0 =	sne.s32 s29, $0xFE00;
	[tilespmem:s28+$0x270] =	vst v0  }
0x15: {  	[tilespmem:s28+$0x200] =	vst v0  }
0x16: {  	[tilespmem:s28+$0x210] =	vst v0  }
.Ltmp0:
0x17: {  	[tilespmem:s28+$0x220] =	vst v0;
	(pc) =	sbr.rel @p0 .LBB2_2-.Ltmp0, $4  }
0x18: {  	[tilespmem:s28+$0x230] =	vst v0  }
0x19: {  	[tilespmem:s28+$0x240] =	vst v0  }
0x1a: {  	[tilespmem:s28+$0x250] =	vst v0  }
0x1b: {  	[tilespmem:s28+$0x260] =	vst v0;
	s28 =	sshra.s32 s29, $0x2;
	s29 =	sadd.s32 $0x200, s29  }
0x1c: {  	[tilespmem:s28+$0x270] =	vst v0  }
0x1d: {  	[tilespmem:s28+$0x200] =	vst v0  }
0x1e: {  	[tilespmem:s28+$0x210] =	vst v0  }
0x1f: {  	[tilespmem:s28+$0x220] =	vst v0  }
0x20: {  	[tilespmem:s28+$0x230] =	vst v0  }
0x21: {  	[tilespmem:s28+$0x240] =	vst v0  }
0x22: {  	[tilespmem:s28+$0x250] =	vst v0  }
0x23: {  	[tilespmem:s28+$0x260] =	vst v0  }
0x24: {  	[spmem:s5] =	stream.linear.scatter [tilespmem:s18], [sflag:$0x3], $0x4000, $0x38;
	[tilespmem:$0x1BE00] =	vst v63  }
0x25: {  	_ =	swait.ge [sflag:s19], $0x4000  }
0x26: {  	[sflag:s19] =	ssyncset.done $0x0  }
0x27: {  	[sflag:s19] =	ssyncadd.s32 $0xFFFFC000  }
0x28: {  	[spmem:s6] =	stream.linear.scatter [tilespmem:s18], [sflag:$0x3], $0x4000, $0x38;
	[tilespmem:$0x1BE00] =	vst v63  }
0x29: {  	_ =	swait.ge [sflag:s19], $0x4000  }
0x2a: {  	[sflag:s19] =	ssyncset.done $0x0  }
0x2b: {  	[sflag:s19] =	ssyncadd.s32 $0xFFFFC000  }
0x2c: {  	[spmem:s7] =	stream.linear.scatter [tilespmem:s18], [sflag:$0x3], $0x4000, $0x38;
	[tilespmem:$0x1BE00] =	vst v63  }
0x2d: {  	_ =	swait.ge [sflag:s19], $0x4000  }
0x2e: {  	[sflag:s19] =	ssyncset.done $0x0  }
0x2f: {  	[sflag:s19] =	ssyncadd.s32 $0xFFFFC000  }
0x30: {  	[spmem:s8] =	stream.linear.scatter [tilespmem:s18], [sflag:$0x3], $0x4000, $0x38;
	[tilespmem:$0x1BE00] =	vst v63  }
0x31: {  	_ =	swait.ge [sflag:s19], $0x4000  }
0x32: {  	[sflag:s19] =	ssyncset.done $0x0  }
0x33: {  	[sflag:s19] =	ssyncadd.s32 $0xFFFFC000  }
0x34: {  	[spmem:s9] =	stream.linear.scatter [tilespmem:s18], [sflag:$0x3], $0x3C00, $0x38;
	[tilespmem:$0x1BE00] =	vst v63  }
0x35: {  	_ =	swait.ge [sflag:s19], $0x3C00  }
0x36: {  	[sflag:s19] =	ssyncset.done $0x0  }
0x37: {  	[sflag:s19] =	ssyncadd.s32 $0xFFFFC400  }
0x38: {  	s28 =	simm.s32 $0x0;
	[bflag:$0x0] =	sbarrier.arrive $0xFFFF  }
0x39: {  	[tilespmem:s28], [sflag:$0x3] =	stream.linear.gather [hbm4b:s10+s28], $0x80, $0x38;
	[tilespmem:$0x1BE00] =	vst v63  }
0x3a: {  	_ =	swait.ge [sflag:s19], $0x80  }
0x3b: {  	[sflag:s19] =	ssyncset.done $0x0  }
0x3c: {  	[sflag:s19] =	ssyncadd.s32 $0xFFFFFF80  }
0x3d: {  	[tilespmem:s20], [sflag:$0x3] =	stream.linear.gather [hbm4b:s11+s28], $0x80, $0x38;
	[tilespmem:$0x1BE00] =	vst v63  }
0x3e: {  	_ =	swait.ge [sflag:s19], $0x80  }
0x3f: {  	[sflag:s19] =	ssyncset.done $0x0  }
0x40: {  	[sflag:s19] =	ssyncadd.s32 $0xFFFFFF80  }
0x41: {  	[tilespmem:s18], [sflag:$0x1] =	stream.indirect.gather [hbm4b:s4+s21], $0x80, s28, s21, $0xb8;
	[tilespmem:$0x1BE00] =	vst v63  }
0x42: {  	s28 =	sadd.s32 $0x0, s16  }
0x43: {  	s29 =	sadd.s32 $0x200, s28  }
0x44: {  	[tilespmem:s21], [sflag:$0x3] =	stream.linear.gather [hbm4b:s29+s3], $0x80, $0x38;
	[tilespmem:$0x1BE00] =	vst v63  }
0x45: {  	_ =	swait.ge [sflag:s19], $0x80  }
0x46: {  	s1 =	sadd.s32 $0x0, s17;
	[sflag:s19] =	ssyncset.done $0x0  }
0x47: {  	s30 =	sadd.s32 $0x200, s1;
	[sflag:s19] =	ssyncadd.s32 $0xFFFFFF80  }
0x48: {  	[tilespmem:s22], [sflag:$0x3] =	stream.linear.gather [hbm4b:s30+s3], $0x80, $0x38;
	[tilespmem:$0x1BE00] =	vst v63  }
0x49: {  	_ =	swait.ge [sflag:s19], $0x80  }
0x4a: {  	[sflag:s19] =	ssyncset.done $0x0  }
0x4b: {  	[sflag:s19] =	ssyncadd.s32 $0xFFFFFF80  }
0x4c: {  	[tilespmem:s23], [sflag:$0x2] =	stream.indirect.gather [hbm4b:s4+s21], $0x80, s21, s21, $0xb8;
	[tilespmem:$0x1BE00] =	vst v63  }
0x4d: {  	_ =	swait.ge [sflag:s24], $0x4000  }
0x4e: {  	[sflag:s24] =	ssyncset.done $0x0  }
0x4f: {  	[sflag:s24] =	ssyncadd.s32 $0xFFFFC000  }
0x50: {  	[spmem:s2] =	stream.indirect.scatter.add.f32 [tilespmem:s18], [sflag:$0x3], $0x80, s20, s21, $0xb8;
	[tilespmem:$0x1BE00] =	vst v63  }
0x51: {  	_ =	swait.ge [sflag:s19], $0x4000  }
0x52: {  	[sflag:s19] =	ssyncset.done $0x0  }
0x53: {  	s28 =	sadd.s32 $0x400, s28;
	[sflag:s19] =	ssyncadd.s32 $0xFFFFC000  }
0x54: {  	[tilespmem:s3], [sflag:$0x3] =	stream.linear.gather [hbm4b:s28+s3], $0x80, $0x38;
	[tilespmem:$0x1BE00] =	vst v63  }
0x55: {  	_ =	swait.ge [sflag:s19], $0x80  }
0x56: {  	[sflag:s19] =	ssyncset.done $0x0  }
0x57: {  	s28 =	sadd.s32 $0x400, s1;
	[sflag:s19] =	ssyncadd.s32 $0xFFFFFF80  }
0x58: {  	[tilespmem:s20], [sflag:$0x3] =	stream.linear.gather [hbm4b:s28+s3], $0x80, $0x38;
	[tilespmem:$0x1BE00] =	vst v63  }
0x59: {  	_ =	swait.ge [sflag:s19], $0x80  }
0x5a: {  	[sflag:s19] =	ssyncset.done $0x0  }
0x5b: {  	[sflag:s19] =	ssyncadd.s32 $0xFFFFFF80  }
0x5c: {  	[tilespmem:s18], [sflag:$0x1] =	stream.indirect.gather [hbm4b:s4+s21], $0x80, s3, s21, $0xb8;
	[tilespmem:$0x1BE00] =	vst v63  }
0x5d: {  	_ =	swait.ge [sflag:s25], $0x4000  }
0x5e: {  	[sflag:s25] =	ssyncset.done $0x0  }
0x5f: {  	[sflag:s25] =	ssyncadd.s32 $0xFFFFC000  }
0x60: {  	[spmem:s2] =	stream.indirect.scatter.add.f32 [tilespmem:s23], [sflag:$0x3], $0x80, s22, s21, $0xb8;
	[tilespmem:$0x1BE00] =	vst v63  }
0x61: {  	s31 =	simm.s32 $0x800;
	_ =	swait.ge [sflag:s19], $0x4000  }
0x62: {  	s30 =	sadd.s32 $0x400, s16;
	s28 =	simm.s32 $0x400;
	[sflag:s19] =	ssyncset.done $0x0  }
.LBB2_4:
0x63: {  	s1 =	sadd.s32 $0x200, s30  }
0x64: {  	[sflag:s19] =	ssyncadd.s32 $0xFFFFC000;
	s0 =	smov.u32 s31;
	s29 =	sadd.s32 $0x400, s31  }
0x65: {  	[tilespmem:s21], [sflag:$0x3] =	stream.linear.gather [hbm4b:s1+s3], $0x80, $0x38;
	[tilespmem:$0x1BE00] =	vst v63  }
0x66: {  	p0 =	sne.s32 s31, $0x9800;
	_ =	swait.ge [sflag:s19], $0x80  }
0x67: {  	s1 =	sadd.s32 s28, s17;
	s28 =	smov.u32 s0;
	[sflag:s19] =	ssyncset.done $0x0  }
0x68: {  	s0 =	sadd.s32 $0x200, s1;
	[sflag:s19] =	ssyncadd.s32 $0xFFFFFF80  }
0x69: {  	[tilespmem:s22], [sflag:$0x3] =	stream.linear.gather [hbm4b:s0+s3], $0x80, $0x38;
	[tilespmem:$0x1BE00] =	vst v63  }
0x6a: {  	_ =	swait.ge [sflag:s19], $0x80  }
0x6b: {  	[sflag:s19] =	ssyncset.done $0x0  }
0x6c: {  	[sflag:s19] =	ssyncadd.s32 $0xFFFFFF80  }
0x6d: {  	[tilespmem:s23], [sflag:$0x2] =	stream.indirect.gather [hbm4b:s4+s21], $0x80, s21, s21, $0xb8;
	[tilespmem:$0x1BE00] =	vst v63  }
0x6e: {  	_ =	swait.ge [sflag:s24], $0x4000  }
0x6f: {  	[sflag:s24] =	ssyncset.done $0x0  }
0x70: {  	[sflag:s24] =	ssyncadd.s32 $0xFFFFC000  }
0x71: {  	[spmem:s2] =	stream.indirect.scatter.add.f32 [tilespmem:s18], [sflag:$0x3], $0x80, s20, s21, $0xb8;
	[tilespmem:$0x1BE00] =	vst v63  }
0x72: {  	_ =	swait.ge [sflag:s19], $0x4000  }
0x73: {  	[sflag:s19] =	ssyncset.done $0x0  }
0x74: {  	s0 =	sadd.s32 $0x400, s30;
	[sflag:s19] =	ssyncadd.s32 $0xFFFFC000  }
0x75: {  	[tilespmem:s3], [sflag:$0x3] =	stream.linear.gather [hbm4b:s0+s3], $0x80, $0x38;
	[tilespmem:$0x1BE00] =	vst v63  }
0x76: {  	_ =	swait.ge [sflag:s19], $0x80  }
0x77: {  	[sflag:s19] =	ssyncset.done $0x0  }
0x78: {  	s0 =	sadd.s32 $0x400, s1;
	[sflag:s19] =	ssyncadd.s32 $0xFFFFFF80  }
0x79: {  	[tilespmem:s20], [sflag:$0x3] =	stream.linear.gather [hbm4b:s0+s3], $0x80, $0x38;
	[tilespmem:$0x1BE00] =	vst v63  }
0x7a: {  	_ =	swait.ge [sflag:s19], $0x80  }
0x7b: {  	[sflag:s19] =	ssyncset.done $0x0  }
0x7c: {  	[sflag:s19] =	ssyncadd.s32 $0xFFFFFF80  }
0x7d: {  	[tilespmem:s18], [sflag:$0x1] =	stream.indirect.gather [hbm4b:s4+s21], $0x80, s3, s21, $0xb8;
	[tilespmem:$0x1BE00] =	vst v63  }
0x7e: {  	_ =	swait.ge [sflag:s25], $0x4000  }
.Ltmp1:
0x7f: {  	[sflag:s25] =	ssyncset.done $0x0;
	(pc) =	sbr.rel @p0 .LBB2_4-.Ltmp1, $4  }
0x80: {  	[sflag:s25] =	ssyncadd.s32 $0xFFFFC000  }
0x81: {  	[spmem:s2] =	stream.indirect.scatter.add.f32 [tilespmem:s23], [sflag:$0x3], $0x80, s22, s21, $0xb8;
	[tilespmem:$0x1BE00] =	vst v63  }
0x82: {  	_ =	swait.ge [sflag:s19], $0x4000  }
0x83: {  	s31 =	smov.u32 s29;
	s30 =	sadd.s32 s28, s16;
	[sflag:s19] =	ssyncset.done $0x0  }
0x84: {  	s0 =	sadd.s32 $0x200, s30;
	[sflag:s19] =	ssyncadd.s32 $0xFFFFC000  }
0x85: {  	[tilespmem:s21], [sflag:$0x3] =	stream.linear.gather [hbm4b:s0+s3], $0x80, $0x38;
	[tilespmem:$0x1BE00] =	vst v63  }
0x86: {  	_ =	swait.ge [sflag:s19], $0x80  }
0x87: {  	s28 =	sadd.s32 s28, s17;
	[sflag:s19] =	ssyncset.done $0x0  }
0x88: {  	s1 =	sadd.s32 $0x200, s28;
	[sflag:s19] =	ssyncadd.s32 $0xFFFFFF80  }
0x89: {  	[tilespmem:s22], [sflag:$0x3] =	stream.linear.gather [hbm4b:s1+s3], $0x80, $0x38;
	[tilespmem:$0x1BE00] =	vst v63  }
0x8a: {  	_ =	swait.ge [sflag:s19], $0x80  }
0x8b: {  	[sflag:s19] =	ssyncset.done $0x0  }
0x8c: {  	[sflag:s19] =	ssyncadd.s32 $0xFFFFFF80  }
0x8d: {  	[tilespmem:s23], [sflag:$0x2] =	stream.indirect.gather [hbm4b:s4+s21], $0x80, s21, s21, $0xb8;
	[tilespmem:$0x1BE00] =	vst v63  }
0x8e: {  	_ =	swait.ge [sflag:s24], $0x4000  }
0x8f: {  	[sflag:s24] =	ssyncset.done $0x0  }
0x90: {  	[sflag:s24] =	ssyncadd.s32 $0xFFFFC000  }
0x91: {  	[spmem:s2] =	stream.indirect.scatter.add.f32 [tilespmem:s18], [sflag:$0x3], $0x80, s20, s21, $0xb8;
	[tilespmem:$0x1BE00] =	vst v63  }
0x92: {  	_ =	swait.ge [sflag:s19], $0x4000  }
0x93: {  	[sflag:s19] =	ssyncset.done $0x0  }
0x94: {  	s29 =	sadd.s32 $0x400, s30;
	[sflag:s19] =	ssyncadd.s32 $0xFFFFC000  }
0x95: {  	[tilespmem:s3], [sflag:$0x3] =	stream.linear.gather [hbm4b:s29+s3], $0x80, $0x38;
	[tilespmem:$0x1BE00] =	vst v63  }
0x96: {  	_ =	swait.ge [sflag:s19], $0x80  }
0x97: {  	[sflag:s19] =	ssyncset.done $0x0  }
0x98: {  	s0 =	sadd.s32 $0x400, s28;
	[sflag:s19] =	ssyncadd.s32 $0xFFFFFF80  }
0x99: {  	[tilespmem:s20], [sflag:$0x3] =	stream.linear.gather [hbm4b:s0+s3], $0x80, $0x38;
	[tilespmem:$0x1BE00] =	vst v63  }
0x9a: {  	_ =	swait.ge [sflag:s19], $0x80  }
0x9b: {  	[sflag:s19] =	ssyncset.done $0x0  }
0x9c: {  	[sflag:s19] =	ssyncadd.s32 $0xFFFFFF80  }
0x9d: {  	[tilespmem:s18], [sflag:$0x1] =	stream.indirect.gather [hbm4b:s4+s21], $0x80, s3, s21, $0xb8;
	[tilespmem:$0x1BE00] =	vst v63  }
0x9e: {  	_ =	swait.ge [sflag:s25], $0x4000  }
0x9f: {  	[sflag:s25] =	ssyncset.done $0x0  }
0xa0: {  	[sflag:s25] =	ssyncadd.s32 $0xFFFFC000  }
0xa1: {  	[spmem:s2] =	stream.indirect.scatter.add.f32 [tilespmem:s23], [sflag:$0x3], $0x80, s22, s21, $0xb8;
	[tilespmem:$0x1BE00] =	vst v63  }
0xa2: {  	_ =	swait.ge [sflag:s19], $0x4000  }
0xa3: {  	[sflag:s19] =	ssyncset.done $0x0  }
0xa4: {  	[sflag:s19] =	ssyncadd.s32 $0xFFFFC000  }
0xa5: {  	[tilespmem:s21], [sflag:$0x3] =	stream.linear.gather [hbm4b:s14+s3], $0x80, $0x38;
	[tilespmem:$0x1BE00] =	vst v63  }
0xa6: {  	_ =	swait.ge [sflag:s19], $0x80  }
0xa7: {  	[sflag:s19] =	ssyncset.done $0x0  }
0xa8: {  	[sflag:s19] =	ssyncadd.s32 $0xFFFFFF80  }
0xa9: {  	[tilespmem:s22], [sflag:$0x3] =	stream.linear.gather [hbm4b:s15+s3], $0x80, $0x38;
	[tilespmem:$0x1BE00] =	vst v63  }
0xaa: {  	_ =	swait.ge [sflag:s19], $0x80  }
0xab: {  	[sflag:s19] =	ssyncset.done $0x0  }
0xac: {  	[sflag:s19] =	ssyncadd.s32 $0xFFFFFF80  }
0xad: {  	[tilespmem:s23], [sflag:$0x2] =	stream.indirect.gather [hbm4b:s4+s21], $0x80, s21, s21, $0xb8;
	[tilespmem:$0x1BE00] =	vst v63  }
0xae: {  	_ =	swait.ge [sflag:s24], $0x4000  }
0xaf: {  	[sflag:s24] =	ssyncset.done $0x0  }
0xb0: {  	[sflag:s24] =	ssyncadd.s32 $0xFFFFC000  }
0xb1: {  	[spmem:s2] =	stream.indirect.scatter.add.f32 [tilespmem:s18], [sflag:$0x3], $0x80, s20, s21, $0xb8;
	[tilespmem:$0x1BE00] =	vst v63  }
0xb2: {  	_ =	swait.ge [sflag:s19], $0x4000  }
0xb3: {  	[sflag:s19] =	ssyncset.done $0x0  }
0xb4: {  	[sflag:s19] =	ssyncadd.s32 $0xFFFFC000  }
0xb5: {  	_ =	swait.ge [sflag:s25], $0x4000  }
0xb6: {  	[sflag:s25] =	ssyncset.done $0x0  }
0xb7: {  	[sflag:s25] =	ssyncadd.s32 $0xFFFFC000  }
0xb8: {  	[spmem:s2] =	stream.indirect.scatter.add.f32 [tilespmem:s23], [sflag:$0x3], $0x80, s22, s21, $0xb8;
	[tilespmem:$0x1BE00] =	vst v63  }
0xb9: {  	s30 =	stileid.u32;
	_ =	swait.ge [sflag:s19], $0x4000  }
0xba: {  	s31 =	sshrl.u32 s5, $0x3;
	s26 =	sadd.s32 $0x1, s26;
	[sflag:s19] =	ssyncset.done $0x0  }
0xbb: {  	p0 =	sne.s32 s26, s13;
	s0 =	sshll.u32 s30, $0x6;
	[sflag:s19] =	ssyncadd.s32 $0xFFFFC000  }
.Ltmp2:
0xbc: {  	s0 =	sor.u32 $0x1C03, s0;
	[bflag:$0x0] =	sbarrier.arrive $0xFFFF;
	(pc) =	sbr.rel @p0 .LBB2_1-.Ltmp2, $4  }
0xbd: {  	[hbm:s12], [sflag:s0] =	dma.local [spmem:s31], $0x2780  }
0xbe: {  	_ =	swait.ge [sflag:s19], $0x2780  }
0xbf: {  	[sflag:s19] =	ssyncset.done $0x0  }
0xc0: {  	[sflag:s19] =	ssyncadd.s32 $0xFFFFD880  }
0xc1: {  	_ =	sfence.sel $0x180000  }
0xc2: {  	[bflag:$0x0] =	sbarrier.arrive $0xFFFF  }
0xc3: {  	_ =	strace $0x9000004D  }
0xc4: {  	s0 =	stileid.u32;
	[bflag:$0x2] =	sbarrier.arrive $0xFFFF  }
0xc5: {  	p0 =	sne.s32 s0, $0x0;
	s0 =	rddreg [dreg:$0x4]  }
0xc6: {  	s0 =	sadd.s32 @!p0 $0x100000, s0  }
0xc7: {  	[sflag:s0] =	ssyncadd.tile.s32 @!p0 $0x1;
	_ =	shalt  }
.Lfunc_end2:
_tile_overlayer_lowered:
.L_overlay_start_2:
0xc8: {  	(tag) =	ssettag $0x2  }
0xc9: {  	s0 =	rddreg [dreg:$0x0];
	s2 =	stileid.u32  }
0xca: {  	s1 =	rddreg [dreg:$0x1];
	p0 =	sne.s32 s2, $0x0  }
0xcb: {  	s3 =	rddreg [dreg:$0x2];
	[bflag:$0x3] =	sbarrier.arrive $0xFFFF;
	s2 =	simm.s32 @!p0 $0x1C03  }
0xcc: {  	[timem:s3], [sflag:s2] =	dma.local @!p0 [hbm:s0], s1  }
0xcd: {  	s0 =	simm.s32 @!p0 $0x3  }
0xce: {  	_ =	swait.ge @!p0 [sflag:s0], s1  }
0xcf: {  	s1 =	ssub.s32 @!p0 $0x0, s1;
	[sflag:s0] =	ssyncset.done @!p0 $0x0  }
0xd0: {  	[sflag:s0] =	ssyncadd.s32 @!p0 s1  }
0xd1: {  	[bflag:$0x3] =	sbarrier.arrive $0xFFFF  }
0xd2: {  	_ =	shalt  }

// kernel: kernel.9.cloned.1.call-start
scs
__scs_entry_jumppad:
0x0: {  	(pc) =	sbr.rel $0x88, $3  }
0x1: {  	(tag) =	ssettag $0x0;
	lr =	simm.s32 $0x1  }
0x2: {  	[smem:$0x3F96] =	sst lr;
	_ =	strace $0xD0000000  }
0x3: {  	_ = 	snop  }
0x4: {  	_ = 	snop  }
0x5: {  	_ = 	snop  }
0x6: {  	_ = 	snop  }
0x7: {  	_ = 	snop  }
__scs_overlays_trampoline_lowered:
0x8: {  	[smem:$0x3FA5] =	sst s0  }
0x9: {  	[smem:$0x3FA6] =	sst s1  }
0xa: {  	[smem:$0x3FA7] =	sst s2  }
0xb: {  	[smem:$0x3FA8] =	sst s3  }
0xc: {  	[smem:$0x3FA9] =	sst s4  }
0xd: {  	[smem:$0x3FAA] =	sst s5  }
0xe: {  	[smem:$0x3FAB] =	sst s6  }
0xf: {  	[smem:$0x3FAC] =	sst s7  }
0x10: {  	[smem:$0x3FAD] =	sst s8  }
0x11: {  	[smem:$0x3FAE] =	sst s9;
	s0 =	simm.s32 @!p0 $0x0  }
0x12: {  	s1 =	sld [smem:$0x3F94];
	s0 =	simm.s32 @p0 $0x1  }
0x13: {  	[smem:$0x3FAF] =	sst s0;
	s0 =	simm.s32 @!p1 $0x0  }
0x14: {  	s2 =	sld [smem:$0x3F93];
	s0 =	simm.s32 @p1 $0x1  }
0x15: {  	[smem:$0x3FB0] =	sst s0;
	s0 =	simm.s32 @!p2 $0x0  }
0x16: {  	s3 =	sld [smem:$0x3FDB];
	s0 =	simm.s32 @p2 $0x1  }
0x17: {  	s4 =	simm.s32 $0x1BF5;
	[smem:$0x3FB2] =	sst s0  }
0x18: {  	s0 =	sld [smem:$0x3F95];
	_ =	swait.ge [sflag:s4], $0x0  }
0x19: {  	s7 =	sld [smem:$0x3F96]  }
0x1a: {  	s8 =	sadd.s32 $0xFFFFE003, lr  }
0x1b: {  	s9 =	sadd.s32 $0xFFFFFEF7, lr;
	s5 =	simm.s32 $0xFFFFFFFF;
	p2 =	slt.u32 s8, $0xFFFFF086  }
0x1c: {  	p1 =	slt.u32 s9, $0xF7A;
	s5 =	simm.s32 @!p2 $0x0  }
0x1d: {  	s5 =	simm.s32 @p1 $0x1;
	p0 =	seq.s32 s7, s2  }
0x1e: {  	s7 =	smul.u32 @!p0 $0xF7A, s2;
	p2 =	seq.s32 @!p0 s5, $0x0  }
0x1f: {  	s9 =	smul.u32 $0xF7A, s1;
	s8 =	simm.s32 @!p0 $0x1BF5;
	p2 =	por !p2, p0  }
0x20: {  	[sflag:s8] =	ssyncset.s32 @!p0 $0xFFFFF086;
	s6 =	sadd.s32 @!p0 s3, s7;
	s7 =	simm.s32 @!p0 $0x108  }
0x21: {  	s3 =	sadd.s32 s3, s9;
	s6 =	sadd.s32 @!p0 $0x88, s6;
	s7 =	simm.s32 @p2 $0x1082  }
0x22: {  	[simem:s7], [sflag:s8] =	dma.local @!p0 [hbm:s6], $0xF7A  }
0x23: {  	s9 =	sor.u32 $0xD0000000, s2;
	s6 =	simm.s32 $0x108;
	_ =	swait.ge @!p0 [sflag:s8], $0x0  }
0x24: {  	s3 =	sadd.s32 $0x88, s3;
	s6 =	simm.s32 @!p1 $0x1082;
	[sflag:s4] =	ssyncset.s32 $0xFFFFF086  }
0x25: {  	[simem:s6], [sflag:s4] =	dma.local [hbm:s3], $0xF7A  }
0x26: {  	[smem:$0x3F96] =	sst s1;
	(tag) =	ssettag s2;
	_ =	strace s9  }
0x27: {  	s1 =	sld [smem:$0x3FA6]  }
0x28: {  	s2 =	sld [smem:$0x3FA7]  }
0x29: {  	s4 =	sld [smem:$0x3FA9]  }
0x2a: {  	p0 =	seq.s32 s5, $0x0;
	s5 =	sld [smem:$0x3FAA]  }
0x2b: {  	s6 =	sld [smem:$0x3FAB]  }
0x2c: {  	s7 =	sld [smem:$0x3FAC]  }
0x2d: {  	s3 =	simm.s32 $0x108;
	s8 =	sld [smem:$0x3FAD]  }
0x2e: {  	s3 =	simm.s32 @!p0 $0x1082;
	s9 =	sld [smem:$0x3FAE]  }
0x2f: {  	lr =	sadd.s32 s0, s3;
	s0 =	sld [smem:$0x3FA5]  }
0x30: {  	s3 =	sld [smem:$0x3FA8]  }
0x31: {  	[smem:$0x3FB1] =	sst s10  }
0x32: {  	s10 =	sld [smem:$0x3FAF];
	_ =	sdelay $0x3  }
0x33: {  	p0 =	seq.s32 s10, $0x1;
	s10 =	sld [smem:$0x3FB1];
	_ =	sdelay $0x3  }
0x34: {  	[smem:$0x3FB1] =	sst s10  }
0x35: {  	s10 =	sld [smem:$0x3FB0];
	_ =	sdelay $0x3  }
0x36: {  	p1 =	seq.s32 s10, $0x1;
	s10 =	sld [smem:$0x3FB1];
	_ =	sdelay $0x3  }
0x37: {  	[smem:$0x3FB1] =	sst s10  }
0x38: {  	s10 =	sld [smem:$0x3FB2]  }
0x39: {  	_ = 	snop;
	(pc) =	sbr.ind lr, $3  }
0x3a: {  	_ = 	snop  }
0x3b: {  	_ = 	snop  }
0x3c: {  	p2 =	seq.s32 s10, $0x1;
	s10 =	sld [smem:$0x3FB1]  }
0x3d: {  	_ =	shalt  }
0x3e: {  	_ =	shalt  }
0x3f: {  	_ =	shalt  }
0x40: {  	_ =	shalt  }
0x41: {  	_ =	shalt  }
0x42: {  	_ =	shalt  }
0x43: {  	_ =	shalt  }
0x44: {  	_ =	shalt  }
0x45: {  	_ =	shalt  }
0x46: {  	_ =	shalt  }
0x47: {  	_ =	shalt  }
0x48: {  	_ =	shalt  }
0x49: {  	_ =	shalt  }
0x4a: {  	_ =	shalt  }
0x4b: {  	_ =	shalt  }
0x4c: {  	_ =	shalt  }
0x4d: {  	_ =	shalt  }
0x4e: {  	_ =	shalt  }
0x4f: {  	_ =	shalt  }
0x50: {  	_ =	shalt  }
0x51: {  	_ =	shalt  }
0x52: {  	_ =	shalt  }
0x53: {  	_ =	shalt  }
0x54: {  	_ =	shalt  }
0x55: {  	_ =	shalt  }
0x56: {  	_ =	shalt  }
0x57: {  	_ =	shalt  }
0x58: {  	_ =	shalt  }
0x59: {  	_ =	shalt  }
0x5a: {  	_ =	shalt  }
0x5b: {  	_ =	shalt  }
0x5c: {  	_ =	shalt  }
0x5d: {  	_ =	shalt  }
0x5e: {  	_ =	shalt  }
0x5f: {  	_ =	shalt  }
0x60: {  	_ =	shalt  }
0x61: {  	_ =	shalt  }
0x62: {  	_ =	shalt  }
0x63: {  	_ =	shalt  }
0x64: {  	_ =	shalt  }
0x65: {  	_ =	shalt  }
0x66: {  	_ =	shalt  }
0x67: {  	_ =	shalt  }
0x68: {  	_ =	shalt  }
0x69: {  	_ =	shalt  }
0x6a: {  	_ =	shalt  }
0x6b: {  	_ =	shalt  }
0x6c: {  	_ =	shalt  }
0x6d: {  	_ =	shalt  }
0x6e: {  	_ =	shalt  }
0x6f: {  	_ =	shalt  }
0x70: {  	_ =	shalt  }
0x71: {  	_ =	shalt  }
0x72: {  	_ =	shalt  }
0x73: {  	_ =	shalt  }
0x74: {  	_ =	shalt  }
0x75: {  	_ =	shalt  }
0x76: {  	_ =	shalt  }
0x77: {  	_ =	shalt  }
0x78: {  	_ =	shalt  }
0x79: {  	_ =	shalt  }
0x7a: {  	_ =	shalt  }
0x7b: {  	_ =	shalt  }
0x7c: {  	_ =	shalt  }
0x7d: {  	_ =	shalt  }
0x7e: {  	_ =	shalt  }
0x7f: {  	_ =	shalt  }
0x80: {  	_ =	shalt  }
0x81: {  	_ =	shalt  }
0x82: {  	_ =	shalt  }
0x83: {  	_ =	shalt  }
0x84: {  	_ =	shalt  }
0x85: {  	_ =	shalt  }
0x86: {  	_ =	shalt  }
0x87: {  	_ =	shalt  }
.Lfunc_end0:
.L_simem_size_0:
called_computation_lowered:
.L_overlay_start_0:
0x88: {  	s2 =	sld [smem:$0x3FD9]  }
0x89: {  	s3 =	sld [smem:$0x3FFE];
	_ =	sdelay $0x1  }
0x8a: {  	s1 =	srdreg.scid  }
0x8b: {  	s0 =	sand.u32 $0x1, s1  }
0x8c: {  	s14 =	sshll.u32 s0, $0xA;
	s2 =	sadd.s32 s3, s2  }
0x8d: {  	s2 =	sadd.s32 s2, s14  }
0x8e: {  	[smem:$0x3FBD] =	sst s2  }
0x8f: {  	_ = 	snop  }
0x90: {  	s2 =	sld [smem:$0x3FD0];
	_ =	sdelay $0x2  }
0x91: {  	s15 =	simm.s32 $0xA;
	s4 =	simm.s32 $0x10  }
0x92: {  	[smem:s4], [sflag:s15] =	dma.local [hbm:s2], $0x1  }
0x93: {  	_ =	swait.eq [sflag:s15], $0x1  }
0x94: {  	[sflag:s15] =	ssyncset.done $0x0  }
0x95: {  	s16 =	sld [smem:$0x10];
	[sflag:s15] =	ssyncadd.s32 $0xFFFFFFFF  }
0x96: {  	s17 =	sld [smem:$0x11];
	(tm) =	ssettm $0x1  }
0x97: {  	s18 =	sld [smem:$0x3FFB];
	_ =	sdelay $0x3  }
0x98: {  	_ =	strace s18  }
0x99: {  	s4 =	sld [smem:$0x3FFC];
	_ =	sdelay $0x3  }
0x9a: {  	_ =	strace s4  }
0x9b: {  	s4 =	sld [smem:$0x3FFD];
	_ =	sdelay $0x3  }
0x9c: {  	_ =	strace s4  }
0x9d: {  	_ =	strace $0x8FFFFFFF  }
0x9e: {  	s19 =	sld [smem:$0x3FDB];
	_ =	sdelay $0x1  }
0x9f: {  	s5 =	simm.s32 $_scs_section_size  }
0xa0: {  	s6 =	simm.s32 $_size__tile_overlayer_lowered;
	s7 =	simm.s32 $_tile_overlayer_lowered  }
0xa1: {  	s22 =	simm.s32 $0x1BFF;
	s21 =	sshll.u32 s7, $0x1;
	s4 =	sadd.s32 s5, s19  }
0xa2: {  	s8 =	simm.s32 $0x0;
	s20 =	sshll.u32 s6, $0x1;
	s6 =	sadd.s32 s21, s4  }
0xa3: {  	[timem:s8], [sflag:s22] =	dma.local [hbm:s6], s20  }
0xa4: {  	_ =	swait.ge [sflag:s22], s20  }
0xa5: {  	s5 =	ssub.s32 $0x0, s20;
	[sflag:s22] =	ssyncset.done $0x0  }
0xa6: {  	[sflag:s22] =	ssyncadd.s32 s5;
	_ =	sdelay $0x1  }
0xa7: {  	s23 =	simm.s32 $0x1B8B  }
0xa8: {  	_ =	swait.ge [sflag:s23], $0x1  }
0xa9: {  	[sflag:s23] =	ssyncset.done $0x0  }
0xaa: {  	s25 =	simm.s32 $0x1B8E;
	s24 =	sld [smem:$0x3FFE];
	[sflag:s23] =	ssyncadd.s32 $0xFFFFFFFF  }
0xab: {  	s26 =	simm.s32 $execute0_lowered;
	[smem:$0x3FD2] =	sst s25  }
0xac: {  	s6 =	sshll.u32 s26, $0x1;
	_ =	strace $0x80000046;
	[dreg:$0x1] =	wrdreg $0xFFFFFFFF  }
0xad: {  	s28 =	simm.s32 $_size_execute0_lowered;
	s4 =	sadd.s32 s4, s6;
	[dreg:$0x0] =	wrdreg $0x0  }
0xae: {  	s6 =	sshll.u32 s28, $0x1;
	[dreg:$0x2] =	wrdreg s4  }
0xaf: {  	[dreg:$0x3] =	wrdreg s6  }
0xb0: {  	[dreg:$0x4] =	wrdreg $0xC0  }
0xb1: {  	_ =	task [dreg:s8], $0x5FFFF  }
0xb2: {  	[dreg:$0x1] =	wrdreg $0xFFFFFFFF  }
0xb3: {  	[dreg:$0x0] =	wrdreg $0x60  }
0xb4: {  	[dreg:$0x2] =	wrdreg s24  }
0xb5: {  	[dreg:$0x3] =	wrdreg s16  }
0xb6: {  	[dreg:$0x4] =	wrdreg s17  }
0xb7: {  	[dreg:$0x5] =	wrdreg $0x82000  }
0xb8: {  	[dreg:$0x6] =	wrdreg $0x9  }
0xb9: {  	_ =	task.clear_ibuf [dreg:s8], $0x7FFFF;
	_ =	strace $0x90000046  }
0xba: {  	s29 =	simm.s32 $0x9;
	_ =	strace $0x80000048  }
0xbb: {  	_ =	swait.ge [sflag:s29], $0x1  }
0xbc: {  	[sflag:s29] =	ssyncadd.s32 $0xFFFFFFFF  }
0xbd: {  	_ =	strace $0x90000048  }
0xbe: {  	_ =	sfence  }
0xbf: {  	s30 =	sld [smem:$0x0];
	_ =	sdelay $0x2  }
0xc0: {  	s31 =	sshll.u32 s1, $0xD;
	s1 =	sshrl.u32 s1, $0x2  }
0xc1: {  	s3 =	sand.u32 $0x4000, s31;
	s1 =	sadd.s32 s1, s30  }
0xc2: {  	s0 =	sor.u32 s3, s0;
	s1 =	sshll.u32 s1, $0x11  }
0xc3: {  	s0 =	sor.u32 s1, s0  }
0xc4: {  	s0 =	sadd.s32 $0x8F2B, s0  }
0xc5: {  	[sflag:s0] =	ssyncadd.remote.s32 $0x1  }
0xc6: {  	_ =	sfence.sel $0xFFFF  }
0xc7: {  	[dreg:$0x0] =	wrdreg $0xFFFFFFFF;
	(pc) =	sbr.abs _section_cstart, $3  }
0xc8: {  	[dreg:$0x1] =	wrdreg $0xFFFFFFFF  }
0xc9: {  	_ =	task.clear_ibuf [dreg:s8], $0x2FFFF;
	_ =	strace $0x9FFFFFFF  }
0xca: {  	(tm) =	ssettm $0x7FFFFFFF  }
0xcb: {  	_ =	shalt  }
tec
execute0_lowered:
.L_overlay_start_1:
0x0: {  	(tag) =	ssettag $0x1  }
0x1: {  	s5 =	rddreg [dreg:$0x0]  }
0x2: {  	s15 =	rddreg [dreg:$0x1]  }
0x3: {  	s16 =	rddreg [dreg:$0x2];
	s1 =	srdreg.scid  }
0x4: {  	s0 =	stileid.u32;
	s2 =	rddreg [dreg:$0x3]  }
0x5: {  	s3 =	simm.s32 $0x0;
	s21 =	simm.s32 $0x80;
	s22 =	simm.s32 $0x180  }
0x6: {  	s23 =	simm.s32 $0x4200;
	s24 =	simm.s32 $0x1;
	s25 =	simm.s32 $0x2  }
0x7: {  	s26 =	simm.s32 $0x0;
	s7 =	sand.u32 $0x1, s1;
	s6 =	smul.u32 $0x2780, s0  }
0x8: {  	[smem:$0x7FF] =	sst s3;
	s9 =	smul.u32 $0x4F000, s0;
	s4 =	sadd.s32 $0x3400, s5  }
0x9: {  	s17 =	sshll.u32 s0, $0x5;
	s8 =	smul.u32 $0x27800, s7;
	_ =	strace $0x80000047  }
0xa: {  	s10 =	ssub.s32 $0x2, s7;
	s18 =	sshll.u32 s7, $0x4;
	s20 =	sadd.s32 s17, s15  }
0xb: {  	s31 =	sshrl.u32 s10, $0x1;
	s9 =	sshrl.u32 s9, $0x2;
	s14 =	sor.u32 s18, s17  }
0xc: {  	s17 =	sadd.s32 s17, s16;
	s6 =	sadd.s32 s6, s8;
	s13 =	ssub.s32 s10, s31  }
0xd: {  	s10 =	sadd.s32 s15, s14;
	s11 =	sadd.s32 s16, s14;
	s19 =	sor.u32 $0x9E00, s14  }
0xe: {  	s17 =	sadd.s32 s18, s17;
	s12 =	sadd.s32 s6, s5;
	s5 =	sadd.s32 s9, s2  }
0xf: {  	s13 =	smax.u32 s13, $0x1;
	s14 =	sadd.s32 s15, s19;
	s15 =	sadd.s32 s16, s19  }
0x10: {  	s16 =	sadd.s32 s18, s20;
	s18 =	simm.s32 $0x200;
	s19 =	simm.s32 $0x3  }
0x11: {  	s20 =	simm.s32 $0x100;
	s6 =	sadd.s32 $0x4000, s5;
	s7 =	sadd.s32 $0x8000, s5  }
0x12: {  	v0 =	vimm.f32 $0.0e+00;
	s8 =	sadd.s32 $0xC000, s5;
	s9 =	sadd.s32 $0x10000, s5;
	s12 =	sadd.s32 $0x2A600, s12  }
.LBB2_1:
0x13: {  	s28 =	simm.s32 $0x0;
	s29 =	simm.s32 $0x200  }
.LBB2_2:
0x14: {  	p0 =	sne.s32 s29, $0xFE00;
	[tilespmem:s28+$0x270] =	vst v0  }
0x15: {  	[tilespmem:s28+$0x200] =	vst v0  }
0x16: {  	[tilespmem:s28+$0x210] =	vst v0  }
.Ltmp0:
0x17: {  	[tilespmem:s28+$0x220] =	vst v0;
	(pc) =	sbr.rel @p0 .LBB2_2-.Ltmp0, $4  }
0x18: {  	[tilespmem:s28+$0x230] =	vst v0  }
0x19: {  	[tilespmem:s28+$0x240] =	vst v0  }
0x1a: {  	[tilespmem:s28+$0x250] =	vst v0  }
0x1b: {  	[tilespmem:s28+$0x260] =	vst v0;
	s28 =	sshra.s32 s29, $0x2;
	s29 =	sadd.s32 $0x200, s29  }
0x1c: {  	[tilespmem:s28+$0x270] =	vst v0  }
0x1d: {  	[tilespmem:s28+$0x200] =	vst v0  }
0x1e: {  	[tilespmem:s28+$0x210] =	vst v0  }
0x1f: {  	[tilespmem:s28+$0x220] =	vst v0  }
0x20: {  	[tilespmem:s28+$0x230] =	vst v0  }
0x21: {  	[tilespmem:s28+$0x240] =	vst v0  }
0x22: {  	[tilespmem:s28+$0x250] =	vst v0  }
0x23: {  	[tilespmem:s28+$0x260] =	vst v0  }
0x24: {  	[spmem:s5] =	stream.linear.scatter [tilespmem:s18], [sflag:$0x3], $0x4000, $0x38;
	[tilespmem:$0x1BE00] =	vst v63  }
0x25: {  	_ =	swait.ge [sflag:s19], $0x4000  }
0x26: {  	[sflag:s19] =	ssyncset.done $0x0  }
0x27: {  	[sflag:s19] =	ssyncadd.s32 $0xFFFFC000  }
0x28: {  	[spmem:s6] =	stream.linear.scatter [tilespmem:s18], [sflag:$0x3], $0x4000, $0x38;
	[tilespmem:$0x1BE00] =	vst v63  }
0x29: {  	_ =	swait.ge [sflag:s19], $0x4000  }
0x2a: {  	[sflag:s19] =	ssyncset.done $0x0  }
0x2b: {  	[sflag:s19] =	ssyncadd.s32 $0xFFFFC000  }
0x2c: {  	[spmem:s7] =	stream.linear.scatter [tilespmem:s18], [sflag:$0x3], $0x4000, $0x38;
	[tilespmem:$0x1BE00] =	vst v63  }
0x2d: {  	_ =	swait.ge [sflag:s19], $0x4000  }
0x2e: {  	[sflag:s19] =	ssyncset.done $0x0  }
0x2f: {  	[sflag:s19] =	ssyncadd.s32 $0xFFFFC000  }
0x30: {  	[spmem:s8] =	stream.linear.scatter [tilespmem:s18], [sflag:$0x3], $0x4000, $0x38;
	[tilespmem:$0x1BE00] =	vst v63  }
0x31: {  	_ =	swait.ge [sflag:s19], $0x4000  }
0x32: {  	[sflag:s19] =	ssyncset.done $0x0  }
0x33: {  	[sflag:s19] =	ssyncadd.s32 $0xFFFFC000  }
0x34: {  	[spmem:s9] =	stream.linear.scatter [tilespmem:s18], [sflag:$0x3], $0x3C00, $0x38;
	[tilespmem:$0x1BE00] =	vst v63  }
0x35: {  	_ =	swait.ge [sflag:s19], $0x3C00  }
0x36: {  	[sflag:s19] =	ssyncset.done $0x0  }
0x37: {  	[sflag:s19] =	ssyncadd.s32 $0xFFFFC400  }
0x38: {  	s28 =	simm.s32 $0x0;
	[bflag:$0x0] =	sbarrier.arrive $0xFFFF  }
0x39: {  	[tilespmem:s28], [sflag:$0x3] =	stream.linear.gather [hbm4b:s10+s28], $0x80, $0x38;
	[tilespmem:$0x1BE00] =	vst v63  }
0x3a: {  	_ =	swait.ge [sflag:s19], $0x80  }
0x3b: {  	[sflag:s19] =	ssyncset.done $0x0  }
0x3c: {  	[sflag:s19] =	ssyncadd.s32 $0xFFFFFF80  }
0x3d: {  	[tilespmem:s20], [sflag:$0x3] =	stream.linear.gather [hbm4b:s11+s28], $0x80, $0x38;
	[tilespmem:$0x1BE00] =	vst v63  }
0x3e: {  	_ =	swait.ge [sflag:s19], $0x80  }
0x3f: {  	[sflag:s19] =	ssyncset.done $0x0  }
0x40: {  	[sflag:s19] =	ssyncadd.s32 $0xFFFFFF80  }
0x41: {  	[tilespmem:s18], [sflag:$0x1] =	stream.indirect.gather [hbm4b:s4+s21], $0x80, s28, s21, $0xb8;
	[tilespmem:$0x1BE00] =	vst v63  }
0x42: {  	s28 =	sadd.s32 $0x0, s16  }
0x43: {  	s29 =	sadd.s32 $0x200, s28  }
0x44: {  	[tilespmem:s21], [sflag:$0x3] =	stream.linear.gather [hbm4b:s29+s3], $0x80, $0x38;
	[tilespmem:$0x1BE00] =	vst v63  }
0x45: {  	_ =	swait.ge [sflag:s19], $0x80  }
0x46: {  	s1 =	sadd.s32 $0x0, s17;
	[sflag:s19] =	ssyncset.done $0x0  }
0x47: {  	s30 =	sadd.s32 $0x200, s1;
	[sflag:s19] =	ssyncadd.s32 $0xFFFFFF80  }
0x48: {  	[tilespmem:s22], [sflag:$0x3] =	stream.linear.gather [hbm4b:s30+s3], $0x80, $0x38;
	[tilespmem:$0x1BE00] =	vst v63  }
0x49: {  	_ =	swait.ge [sflag:s19], $0x80  }
0x4a: {  	[sflag:s19] =	ssyncset.done $0x0  }
0x4b: {  	[sflag:s19] =	ssyncadd.s32 $0xFFFFFF80  }
0x4c: {  	[tilespmem:s23], [sflag:$0x2] =	stream.indirect.gather [hbm4b:s4+s21], $0x80, s21, s21, $0xb8;
	[tilespmem:$0x1BE00] =	vst v63  }
0x4d: {  	_ =	swait.ge [sflag:s24], $0x4000  }
0x4e: {  	[sflag:s24] =	ssyncset.done $0x0  }
0x4f: {  	[sflag:s24] =	ssyncadd.s32 $0xFFFFC000  }
0x50: {  	[spmem:s2] =	stream.indirect.scatter.add.f32 [tilespmem:s18], [sflag:$0x3], $0x80, s20, s21, $0xb8;
	[tilespmem:$0x1BE00] =	vst v63  }
0x51: {  	_ =	swait.ge [sflag:s19], $0x4000  }
0x52: {  	[sflag:s19] =	ssyncset.done $0x0  }
0x53: {  	s28 =	sadd.s32 $0x400, s28;
	[sflag:s19] =	ssyncadd.s32 $0xFFFFC000  }
0x54: {  	[tilespmem:s3], [sflag:$0x3] =	stream.linear.gather [hbm4b:s28+s3], $0x80, $0x38;
	[tilespmem:$0x1BE00] =	vst v63  }
0x55: {  	_ =	swait.ge [sflag:s19], $0x80  }
0x56: {  	[sflag:s19] =	ssyncset.done $0x0  }
0x57: {  	s28 =	sadd.s32 $0x400, s1;
	[sflag:s19] =	ssyncadd.s32 $0xFFFFFF80  }
0x58: {  	[tilespmem:s20], [sflag:$0x3] =	stream.linear.gather [hbm4b:s28+s3], $0x80, $0x38;
	[tilespmem:$0x1BE00] =	vst v63  }
0x59: {  	_ =	swait.ge [sflag:s19], $0x80  }
0x5a: {  	[sflag:s19] =	ssyncset.done $0x0  }
0x5b: {  	[sflag:s19] =	ssyncadd.s32 $0xFFFFFF80  }
0x5c: {  	[tilespmem:s18], [sflag:$0x1] =	stream.indirect.gather [hbm4b:s4+s21], $0x80, s3, s21, $0xb8;
	[tilespmem:$0x1BE00] =	vst v63  }
0x5d: {  	_ =	swait.ge [sflag:s25], $0x4000  }
0x5e: {  	[sflag:s25] =	ssyncset.done $0x0  }
0x5f: {  	[sflag:s25] =	ssyncadd.s32 $0xFFFFC000  }
0x60: {  	[spmem:s2] =	stream.indirect.scatter.add.f32 [tilespmem:s23], [sflag:$0x3], $0x80, s22, s21, $0xb8;
	[tilespmem:$0x1BE00] =	vst v63  }
0x61: {  	s31 =	simm.s32 $0x800;
	_ =	swait.ge [sflag:s19], $0x4000  }
0x62: {  	s30 =	sadd.s32 $0x400, s16;
	s28 =	simm.s32 $0x400;
	[sflag:s19] =	ssyncset.done $0x0  }
.LBB2_4:
0x63: {  	s1 =	sadd.s32 $0x200, s30  }
0x64: {  	[sflag:s19] =	ssyncadd.s32 $0xFFFFC000;
	s0 =	smov.u32 s31;
	s29 =	sadd.s32 $0x400, s31  }
0x65: {  	[tilespmem:s21], [sflag:$0x3] =	stream.linear.gather [hbm4b:s1+s3], $0x80, $0x38;
	[tilespmem:$0x1BE00] =	vst v63  }
0x66: {  	p0 =	sne.s32 s31, $0x9800;
	_ =	swait.ge [sflag:s19], $0x80  }
0x67: {  	s1 =	sadd.s32 s28, s17;
	s28 =	smov.u32 s0;
	[sflag:s19] =	ssyncset.done $0x0  }
0x68: {  	s0 =	sadd.s32 $0x200, s1;
	[sflag:s19] =	ssyncadd.s32 $0xFFFFFF80  }
0x69: {  	[tilespmem:s22], [sflag:$0x3] =	stream.linear.gather [hbm4b:s0+s3], $0x80, $0x38;
	[tilespmem:$0x1BE00] =	vst v63  }
0x6a: {  	_ =	swait.ge [sflag:s19], $0x80  }
0x6b: {  	[sflag:s19] =	ssyncset.done $0x0  }
0x6c: {  	[sflag:s19] =	ssyncadd.s32 $0xFFFFFF80  }
0x6d: {  	[tilespmem:s23], [sflag:$0x2] =	stream.indirect.gather [hbm4b:s4+s21], $0x80, s21, s21, $0xb8;
	[tilespmem:$0x1BE00] =	vst v63  }
0x6e: {  	_ =	swait.ge [sflag:s24], $0x4000  }
0x6f: {  	[sflag:s24] =	ssyncset.done $0x0  }
0x70: {  	[sflag:s24] =	ssyncadd.s32 $0xFFFFC000  }
0x71: {  	[spmem:s2] =	stream.indirect.scatter.add.f32 [tilespmem:s18], [sflag:$0x3], $0x80, s20, s21, $0xb8;
	[tilespmem:$0x1BE00] =	vst v63  }
0x72: {  	_ =	swait.ge [sflag:s19], $0x4000  }
0x73: {  	[sflag:s19] =	ssyncset.done $0x0  }
0x74: {  	s0 =	sadd.s32 $0x400, s30;
	[sflag:s19] =	ssyncadd.s32 $0xFFFFC000  }
0x75: {  	[tilespmem:s3], [sflag:$0x3] =	stream.linear.gather [hbm4b:s0+s3], $0x80, $0x38;
	[tilespmem:$0x1BE00] =	vst v63  }
0x76: {  	_ =	swait.ge [sflag:s19], $0x80  }
0x77: {  	[sflag:s19] =	ssyncset.done $0x0  }
0x78: {  	s0 =	sadd.s32 $0x400, s1;
	[sflag:s19] =	ssyncadd.s32 $0xFFFFFF80  }
0x79: {  	[tilespmem:s20], [sflag:$0x3] =	stream.linear.gather [hbm4b:s0+s3], $0x80, $0x38;
	[tilespmem:$0x1BE00] =	vst v63  }
0x7a: {  	_ =	swait.ge [sflag:s19], $0x80  }
0x7b: {  	[sflag:s19] =	ssyncset.done $0x0  }
0x7c: {  	[sflag:s19] =	ssyncadd.s32 $0xFFFFFF80  }
0x7d: {  	[tilespmem:s18], [sflag:$0x1] =	stream.indirect.gather [hbm4b:s4+s21], $0x80, s3, s21, $0xb8;
	[tilespmem:$0x1BE00] =	vst v63  }
0x7e: {  	_ =	swait.ge [sflag:s25], $0x4000  }
.Ltmp1:
0x7f: {  	[sflag:s25] =	ssyncset.done $0x0;
	(pc) =	sbr.rel @p0 .LBB2_4-.Ltmp1, $4  }
0x80: {  	[sflag:s25] =	ssyncadd.s32 $0xFFFFC000  }
0x81: {  	[spmem:s2] =	stream.indirect.scatter.add.f32 [tilespmem:s23], [sflag:$0x3], $0x80, s22, s21, $0xb8;
	[tilespmem:$0x1BE00] =	vst v63  }
0x82: {  	_ =	swait.ge [sflag:s19], $0x4000  }
0x83: {  	s31 =	smov.u32 s29;
	s30 =	sadd.s32 s28, s16;
	[sflag:s19] =	ssyncset.done $0x0  }
0x84: {  	s0 =	sadd.s32 $0x200, s30;
	[sflag:s19] =	ssyncadd.s32 $0xFFFFC000  }
0x85: {  	[tilespmem:s21], [sflag:$0x3] =	stream.linear.gather [hbm4b:s0+s3], $0x80, $0x38;
	[tilespmem:$0x1BE00] =	vst v63  }
0x86: {  	_ =	swait.ge [sflag:s19], $0x80  }
0x87: {  	s28 =	sadd.s32 s28, s17;
	[sflag:s19] =	ssyncset.done $0x0  }
0x88: {  	s1 =	sadd.s32 $0x200, s28;
	[sflag:s19] =	ssyncadd.s32 $0xFFFFFF80  }
0x89: {  	[tilespmem:s22], [sflag:$0x3] =	stream.linear.gather [hbm4b:s1+s3], $0x80, $0x38;
	[tilespmem:$0x1BE00] =	vst v63  }
0x8a: {  	_ =	swait.ge [sflag:s19], $0x80  }
0x8b: {  	[sflag:s19] =	ssyncset.done $0x0  }
0x8c: {  	[sflag:s19] =	ssyncadd.s32 $0xFFFFFF80  }
0x8d: {  	[tilespmem:s23], [sflag:$0x2] =	stream.indirect.gather [hbm4b:s4+s21], $0x80, s21, s21, $0xb8;
	[tilespmem:$0x1BE00] =	vst v63  }
0x8e: {  	_ =	swait.ge [sflag:s24], $0x4000  }
0x8f: {  	[sflag:s24] =	ssyncset.done $0x0  }
0x90: {  	[sflag:s24] =	ssyncadd.s32 $0xFFFFC000  }
0x91: {  	[spmem:s2] =	stream.indirect.scatter.add.f32 [tilespmem:s18], [sflag:$0x3], $0x80, s20, s21, $0xb8;
	[tilespmem:$0x1BE00] =	vst v63  }
0x92: {  	_ =	swait.ge [sflag:s19], $0x4000  }
0x93: {  	[sflag:s19] =	ssyncset.done $0x0  }
0x94: {  	s29 =	sadd.s32 $0x400, s30;
	[sflag:s19] =	ssyncadd.s32 $0xFFFFC000  }
0x95: {  	[tilespmem:s3], [sflag:$0x3] =	stream.linear.gather [hbm4b:s29+s3], $0x80, $0x38;
	[tilespmem:$0x1BE00] =	vst v63  }
0x96: {  	_ =	swait.ge [sflag:s19], $0x80  }
0x97: {  	[sflag:s19] =	ssyncset.done $0x0  }
0x98: {  	s0 =	sadd.s32 $0x400, s28;
	[sflag:s19] =	ssyncadd.s32 $0xFFFFFF80  }
0x99: {  	[tilespmem:s20], [sflag:$0x3] =	stream.linear.gather [hbm4b:s0+s3], $0x80, $0x38;
	[tilespmem:$0x1BE00] =	vst v63  }
0x9a: {  	_ =	swait.ge [sflag:s19], $0x80  }
0x9b: {  	[sflag:s19] =	ssyncset.done $0x0  }
0x9c: {  	[sflag:s19] =	ssyncadd.s32 $0xFFFFFF80  }
0x9d: {  	[tilespmem:s18], [sflag:$0x1] =	stream.indirect.gather [hbm4b:s4+s21], $0x80, s3, s21, $0xb8;
	[tilespmem:$0x1BE00] =	vst v63  }
0x9e: {  	_ =	swait.ge [sflag:s25], $0x4000  }
0x9f: {  	[sflag:s25] =	ssyncset.done $0x0  }
0xa0: {  	[sflag:s25] =	ssyncadd.s32 $0xFFFFC000  }
0xa1: {  	[spmem:s2] =	stream.indirect.scatter.add.f32 [tilespmem:s23], [sflag:$0x3], $0x80, s22, s21, $0xb8;
	[tilespmem:$0x1BE00] =	vst v63  }
0xa2: {  	_ =	swait.ge [sflag:s19], $0x4000  }
0xa3: {  	[sflag:s19] =	ssyncset.done $0x0  }
0xa4: {  	[sflag:s19] =	ssyncadd.s32 $0xFFFFC000  }
0xa5: {  	[tilespmem:s21], [sflag:$0x3] =	stream.linear.gather [hbm4b:s14+s3], $0x80, $0x38;
	[tilespmem:$0x1BE00] =	vst v63  }
0xa6: {  	_ =	swait.ge [sflag:s19], $0x80  }
0xa7: {  	[sflag:s19] =	ssyncset.done $0x0  }
0xa8: {  	[sflag:s19] =	ssyncadd.s32 $0xFFFFFF80  }
0xa9: {  	[tilespmem:s22], [sflag:$0x3] =	stream.linear.gather [hbm4b:s15+s3], $0x80, $0x38;
	[tilespmem:$0x1BE00] =	vst v63  }
0xaa: {  	_ =	swait.ge [sflag:s19], $0x80  }
0xab: {  	[sflag:s19] =	ssyncset.done $0x0  }
0xac: {  	[sflag:s19] =	ssyncadd.s32 $0xFFFFFF80  }
0xad: {  	[tilespmem:s23], [sflag:$0x2] =	stream.indirect.gather [hbm4b:s4+s21], $0x80, s21, s21, $0xb8;
	[tilespmem:$0x1BE00] =	vst v63  }
0xae: {  	_ =	swait.ge [sflag:s24], $0x4000  }
0xaf: {  	[sflag:s24] =	ssyncset.done $0x0  }
0xb0: {  	[sflag:s24] =	ssyncadd.s32 $0xFFFFC000  }
0xb1: {  	[spmem:s2] =	stream.indirect.scatter.add.f32 [tilespmem:s18], [sflag:$0x3], $0x80, s20, s21, $0xb8;
	[tilespmem:$0x1BE00] =	vst v63  }
0xb2: {  	_ =	swait.ge [sflag:s19], $0x4000  }
0xb3: {  	[sflag:s19] =	ssyncset.done $0x0  }
0xb4: {  	[sflag:s19] =	ssyncadd.s32 $0xFFFFC000  }
0xb5: {  	_ =	swait.ge [sflag:s25], $0x4000  }
0xb6: {  	[sflag:s25] =	ssyncset.done $0x0  }
0xb7: {  	[sflag:s25] =	ssyncadd.s32 $0xFFFFC000  }
0xb8: {  	[spmem:s2] =	stream.indirect.scatter.add.f32 [tilespmem:s23], [sflag:$0x3], $0x80, s22, s21, $0xb8;
	[tilespmem:$0x1BE00] =	vst v63  }
0xb9: {  	s30 =	stileid.u32;
	_ =	swait.ge [sflag:s19], $0x4000  }
0xba: {  	s31 =	sshrl.u32 s5, $0x3;
	s26 =	sadd.s32 $0x1, s26;
	[sflag:s19] =	ssyncset.done $0x0  }
0xbb: {  	p0 =	sne.s32 s26, s13;
	s0 =	sshll.u32 s30, $0x6;
	[sflag:s19] =	ssyncadd.s32 $0xFFFFC000  }
.Ltmp2:
0xbc: {  	s0 =	sor.u32 $0x1C03, s0;
	[bflag:$0x0] =	sbarrier.arrive $0xFFFF;
	(pc) =	sbr.rel @p0 .LBB2_1-.Ltmp2, $4  }
0xbd: {  	[hbm:s12], [sflag:s0] =	dma.local [spmem:s31], $0x2780  }
0xbe: {  	_ =	swait.ge [sflag:s19], $0x2780  }
0xbf: {  	[sflag:s19] =	ssyncset.done $0x0  }
0xc0: {  	[sflag:s19] =	ssyncadd.s32 $0xFFFFD880  }
0xc1: {  	_ =	sfence.sel $0x180000  }
0xc2: {  	[bflag:$0x0] =	sbarrier.arrive $0xFFFF  }
0xc3: {  	_ =	strace $0x90000047  }
0xc4: {  	s0 =	stileid.u32;
	[bflag:$0x2] =	sbarrier.arrive $0xFFFF  }
0xc5: {  	p0 =	sne.s32 s0, $0x0;
	s0 =	rddreg [dreg:$0x4]  }
0xc6: {  	s0 =	sadd.s32 @!p0 $0x100000, s0  }
0xc7: {  	[sflag:s0] =	ssyncadd.tile.s32 @!p0 $0x1;
	_ =	shalt  }
.Lfunc_end2:
_tile_overlayer_lowered:
.L_overlay_start_2:
0xc8: {  	(tag) =	ssettag $0x2  }
0xc9: {  	s0 =	rddreg [dreg:$0x0];
	s2 =	stileid.u32  }
0xca: {  	s1 =	rddreg [dreg:$0x1];
	p0 =	sne.s32 s2, $0x0  }
0xcb: {  	s3 =	rddreg [dreg:$0x2];
	[bflag:$0x3] =	sbarrier.arrive $0xFFFF;
	s2 =	simm.s32 @!p0 $0x1C03  }
0xcc: {  	[timem:s3], [sflag:s2] =	dma.local @!p0 [hbm:s0], s1  }
0xcd: {  	s0 =	simm.s32 @!p0 $0x3  }
0xce: {  	_ =	swait.ge @!p0 [sflag:s0], s1  }
0xcf: {  	s1 =	ssub.s32 @!p0 $0x0, s1;
	[sflag:s0] =	ssyncset.done @!p0 $0x0  }
0xd0: {  	[sflag:s0] =	ssyncadd.s32 @!p0 s1  }
0xd1: {  	[bflag:$0x3] =	sbarrier.arrive $0xFFFF  }
0xd2: {  	_ =	shalt  }

</sc_bundles>
